<compile_context>
chip_gen: v7x
topology: tpu7x:2x2x1
jax: 0.10.2.dev20260603
libtpu: 0.0.44.dev20260713+nightly
codegen_flags: <defaults>
</compile_context>

<pallas_src>
import functools

import jax
import jax.numpy as jnp
from jax import lax
from jax.experimental import pallas as pl
from jax.experimental.pallas import tpu as pltpu
from jax.experimental.pallas import tpu_sc as plsc

N = 10000
E = 320000
D = 128
C = 1000

NC = 2
NS = 16
L = 16
NW = NC * NS

N_PAD = 10240
EP = 10240
E_PAD = NW * EP
K = 128
CHUNKS = EP // K
ROWS_PER_TILE = N_PAD // NS

_mesh = plsc.VectorSubcoreMesh(core_axis_name="c", subcore_axis_name="s")


@functools.partial(
    pl.kernel,
    out_type=jax.ShapeDtypeStruct((NW, 2, N_PAD), jnp.float32),
    mesh=_mesh,
    scratch_types=[
        pltpu.VMEM((CHUNKS, K), jnp.int32),
        pltpu.VMEM((CHUNKS, K), jnp.int32),
        pltpu.VMEM((N_PAD,), jnp.float32),
        pltpu.VMEM((N_PAD,), jnp.float32),
    ],
    compiler_params=pltpu.CompilerParams(needs_layout_passes=False),
)
def _deg_kernel(src_hbm, dst_hbm, out_hbm, idx_s, idx_d, hist_s, hist_d):
    c = lax.axis_index("c")
    s = lax.axis_index("s")
    wid = s * NC + c

    zeros = jnp.zeros((L,), jnp.float32)

    def zero_body(i, _):
        hist_s[pl.ds(i * L, L)] = zeros
        hist_d[pl.ds(i * L, L)] = zeros
        return 0

    lax.fori_loop(0, N_PAD // L, zero_body, 0)

    pltpu.sync_copy(src_hbm.at[wid], idx_s)
    pltpu.sync_copy(dst_hbm.at[wid], idx_d)

    ones = jnp.ones((L,), jnp.float32)

    def chunk_body(j, _):
        def inner(i, _):
            plsc.addupdate_scatter(hist_s, [idx_s[j, pl.ds(i * L, L)]], ones)
            plsc.addupdate_scatter(hist_d, [idx_d[j, pl.ds(i * L, L)]], ones)
            return 0

        lax.fori_loop(0, K // L, inner, 0)
        return 0

    lax.fori_loop(0, CHUNKS, chunk_body, 0)

    pltpu.sync_copy(hist_s, out_hbm.at[wid, 0])
    pltpu.sync_copy(hist_d, out_hbm.at[wid, 1])


@functools.partial(
    pl.kernel,
    out_type=jax.ShapeDtypeStruct((NC, N_PAD, D), jnp.float32),
    mesh=_mesh,
    scratch_types=[
        pltpu.VMEM((CHUNKS, K), jnp.int32),
        pltpu.VMEM((CHUNKS // 2, K), jnp.int32),
        pltpu.VMEM((K, D), jnp.float32),
        pltpu.VMEM((K, D), jnp.float32),
        pltpu.VMEM_SHARED((N_PAD, D), jnp.float32),
        pltpu.SemaphoreType.DMA,
        pltpu.SemaphoreType.DMA,
    ],
)
def _edge_kernel(
    xs2_hbm, src_hbm, dst_hbm, out_hbm,
    idx_s, idx_d, rows0, rows1, accum, sem0, sem1,
):
    c = lax.axis_index("c")
    s = lax.axis_index("s")
    wid = s * NC + c
    xs_hbm = xs2_hbm.at[c]

    r0 = s * ROWS_PER_TILE
    nz = N_PAD - N
    done = 0
    while done < ROWS_PER_TILE:
        step = min(nz, ROWS_PER_TILE - done)
        pltpu.sync_copy(xs_hbm.at[pl.ds(N, step)], accum.at[pl.ds(r0 + done, step)])
        done += step

    plsc.subcore_barrier()

    HC = CHUNKS // 2
    pltpu.sync_copy(src_hbm.at[wid], idx_s)
    pltpu.sync_copy(dst_hbm.at[wid, pl.ds(0, HC)], idx_d)
    pltpu.async_copy(xs_hbm.at[idx_s.at[0]], rows0, sem0)

    def pair_body(m, _):
        j = 2 * m
        slot = j - HC * (j // HC)

        @pl.when(j == HC)
        def _():
            pltpu.sync_copy(dst_hbm.at[wid, pl.ds(HC, HC)], idx_d)

        pltpu.async_copy(xs_hbm.at[idx_s.at[j + 1]], rows1, sem1)
        pltpu.make_async_copy(xs_hbm.at[idx_s.at[j]], rows0, sem0).wait()
        pltpu.sync_copy(rows0, accum.at[idx_d.at[slot]], add=True)

        @pl.when(j + 2 < CHUNKS)
        def _():
            pltpu.async_copy(xs_hbm.at[idx_s.at[j + 2]], rows0, sem0)

        pltpu.make_async_copy(xs_hbm.at[idx_s.at[j + 1]], rows1, sem1).wait()
        pltpu.sync_copy(rows1, accum.at[idx_d.at[slot + 1]], add=True)
        return 0

    lax.fori_loop(0, CHUNKS // 2, pair_body, 0)

    plsc.subcore_barrier()
    pltpu.sync_copy(
        accum.at[pl.ds(r0, ROWS_PER_TILE)],
        out_hbm.at[c, pl.ds(r0, ROWS_PER_TILE)],
    )


def _norm_body(hists_ref, x_ref, xs_ref, norms_ref):
    deg = jnp.sum(hists_ref[...], axis=0)
    norm = lax.rsqrt(jnp.maximum(deg, 1.0))
    norms_ref[...] = norm
    xsv = x_ref[...] * norm[0][:N][:, None]
    zpad = jnp.zeros((N_PAD - N, D), jnp.float32)
    xs_ref[0, :N, :] = xsv
    xs_ref[0, N:, :] = zpad
    xs_ref[1, :N, :] = xsv
    xs_ref[1, N:, :] = zpad


def _norm_call(hists, x):
    return pl.pallas_call(
        _norm_body,
        out_shape=(
            jax.ShapeDtypeStruct((2, N_PAD, D), jnp.float32),
            jax.ShapeDtypeStruct((2, N_PAD), jnp.float32),
        ),
    )(hists, x)


def _combine_body(p_ref, no_ref, ni_ref, w_ref, b_ref, out_ref):
    agg = (p_ref[0] + p_ref[1]) * ni_ref[...]
    h = jnp.dot(agg, w_ref[...], preferred_element_type=jnp.float32)
    h = jnp.maximum(h + b_ref[...], 0.0)
    h = h * no_ref[...]
    rows = lax.broadcasted_iota(jnp.int32, (N_PAD, 1), 0)
    hm = jnp.where(rows < N, h, 0.0)
    out_ref[0] = hm
    out_ref[1] = hm


def _combine_call(p, no_col, ni_col, w, b):
    return pl.pallas_call(
        _combine_body,
        out_shape=jax.ShapeDtypeStruct((2, N_PAD, D), jnp.float32),
    )(p, no_col, ni_col, w, b)


_RB = 1000


def _final_body(p_ref, ni_ref, w_ref, b_ref, wc_ref, bc_ref, out_ref):
    agg = (p_ref[0] + p_ref[1]) * ni_ref[...]
    h = jnp.dot(agg, w_ref[...], preferred_element_type=jnp.float32)
    h = jnp.maximum(h + b_ref[...], 0.0)
    out_ref[...] = (
        jnp.dot(h, wc_ref[...], preferred_element_type=jnp.float32) + bc_ref[...]
    )


def _final_call(p, ni_col, w, b, wc, bc):
    grid = N // _RB
    return pl.pallas_call(
        _final_body,
        grid=(grid,),
        in_specs=[
            pl.BlockSpec((2, _RB, D), lambda i: (0, i, 0)),
            pl.BlockSpec((_RB, 1), lambda i: (i, 0)),
            pl.BlockSpec((D, D), lambda i: (0, 0)),
            pl.BlockSpec((1, D), lambda i: (0, 0)),
            pl.BlockSpec((D, C), lambda i: (0, 0)),
            pl.BlockSpec((1, C), lambda i: (0, 0)),
        ],
        out_specs=pl.BlockSpec((_RB, C), lambda i: (i, 0)),
        out_shape=jax.ShapeDtypeStruct((N, C), jnp.float32),
    )(p, ni_col, w, b, wc, bc)


def kernel(x, edge_index, W1, b1, W2, b2, Wc, bc):
    src = edge_index[0].astype(jnp.int32)
    dst = edge_index[1].astype(jnp.int32)
    pad = jnp.full((E_PAD - E,), N, jnp.int32)
    src_p = jnp.concatenate([src, pad]).reshape(NW, CHUNKS, K)
    dst_p = jnp.concatenate([dst, pad]).reshape(NW, CHUNKS, K)

    hists = _deg_kernel(src_p, dst_p)
    xs, norms = _norm_call(hists, x)
    no_col = norms[0].reshape(N_PAD, 1)
    ni_col = norms[1].reshape(N_PAD, 1)

    p1 = _edge_kernel(xs, src_p, dst_p)
    h1s = _combine_call(p1, no_col, ni_col, W1, b1.reshape(1, D))
    p2 = _edge_kernel(h1s, src_p, dst_p)
    return _final_call(p2, ni_col, W2, b2.reshape(1, D), Wc, bc.reshape(1, C))

# --- scband reference (transcript-rebuilt; emitter-appended) ---
"""Pipeline reference for scband-dglvi-tgraph-net-56667798503868 (READ-ONLY COPY).

The authoritative reference and input builder live on the scoring server;
editing this copy changes nothing except your own understanding.
"""

import jax, jax.numpy as jnp
import numpy as np

N_NODES = 10000
N_EDGES = 320000
D = 128
NUM_CLASSES = 1000


def setup_inputs(seed: int = 0) -> dict:
    key = jax.random.key(seed)
    ks = jax.random.split(key, 10)
    x = jax.random.normal(ks[0], (N_NODES, D), dtype=jnp.float32)
    edge_index = jax.random.randint(ks[1], (2, N_EDGES), 0, N_NODES, dtype=jnp.int64 if jax.config.jax_enable_x64 else jnp.int32)
    W1 = jax.random.normal(ks[2], (D, D), dtype=jnp.float32) * (1.0 / np.sqrt(D))
    b1 = jnp.zeros((D,), dtype=jnp.float32)
    W2 = jax.random.normal(ks[3], (D, D), dtype=jnp.float32) * (1.0 / np.sqrt(D))
    b2 = jnp.zeros((D,), dtype=jnp.float32)
    Wc = jax.random.normal(ks[4], (D, NUM_CLASSES), dtype=jnp.float32) * (1.0 / np.sqrt(D))
    bc = jnp.zeros((NUM_CLASSES,), dtype=jnp.float32)
    return {"x": x, "edge_index": edge_index, "W1": W1, "b1": b1, "W2": W2, "b2": b2, "Wc": Wc, "bc": bc}


def _graph_conv(x, src, dst, W, b, n_nodes):
    # DGL GraphConv with norm='both': D_out^{-1/2} on source feats,
    # sum aggregation to dst, D_in^{-1/2} on result, then linear + relu.
    ones = jnp.ones((src.shape[0],), dtype=jnp.float32)
    deg_out = jax.ops.segment_sum(ones, src, num_segments=n_nodes)
    deg_in = jax.ops.segment_sum(ones, dst, num_segments=n_nodes)
    norm_out = jnp.power(jnp.maximum(deg_out, 1.0), -0.5)
    norm_in = jnp.power(jnp.maximum(deg_in, 1.0), -0.5)
    h = x * norm_out[:, None]
    msgs = jnp.take(h, src, axis=0)
    agg = jax.ops.segment_sum(msgs, dst, num_segments=n_nodes)
    agg = agg * norm_in[:, None]
    out = agg @ W + b
    return jax.nn.relu(out)


def reference(x, edge_index, W1, b1, W2, b2, Wc, bc):
    # ViT feature extraction is frozen / no_grad in the original module;
    # x plays the role of the extracted [CLS] node features (hidden_dim).
    src = edge_index[0]
    dst = edge_index[1]
    h = _graph_conv(x, src, dst, W1, b1, N_NODES)
    h = _graph_conv(h, src, dst, W2, b2, N_NODES)
    logits = h @ Wc + bc
    return logits

if __name__ == "__main__":
    import jax
    _d = setup_inputs()
    print(jax.jit(kernel)(*tuple(_d.values())))

</pallas_src>

<mosaic_0001>
#map = affine_map<(d0, d1) -> (0, 0, 0)>
module attributes {stable_mosaic.version = 14 : i64} {
  func.func @_edge_kernel(%arg0: i32, %arg1: i32, %arg2: memref<2x10240x128xf32, #tpu.memory_space<hbm>>, %arg3: memref<32x80x128xi32, #tpu.memory_space<hbm>>, %arg4: memref<32x80x128xi32, #tpu.memory_space<hbm>>, %arg5: memref<2x10240x128xf32, #tpu.memory_space<hbm>>, %arg6: memref<80x128xi32, #tpu.memory_space<vmem>>, %arg7: memref<40x128xi32, #tpu.memory_space<vmem>>, %arg8: memref<128x128xf32, #tpu.memory_space<vmem>>, %arg9: memref<128x128xf32, #tpu.memory_space<vmem>>, %arg10: memref<10240x128xf32, #tpu.memory_space<vmem_shared>>, %arg11: memref<!tpu.dma_semaphore, #tpu.memory_space<semaphore_mem>>, %arg12: memref<!tpu.dma_semaphore, #tpu.memory_space<semaphore_mem>>) attributes {dimension_semantics = [#tpu.dimension_semantics<core_parallel>, #tpu.dimension_semantics<subcore_parallel>], iteration_bounds = array<i64: 2, 16>, scalar_prefetch = 0 : i64, scratch_operands = 7 : i64, tpu.core_type = #tpu.core_type<sc_vector_subcore>, window_params = [{transform_indices = #map}, {transform_indices = #map}, {transform_indices = #map}, {transform_indices = #map}]} {
    %mul3A = arith.constant 2 : i32
    %mul3A_0 = arith.muli %arg1, %mul3A : i32
    %add3A = arith.addi %mul3A_0, %arg0 : i32
    %mul3A_1 = arith.constant 640 : i32
    %mul3A_2 = arith.muli %arg1, %mul3A_1 : i32
    %add3A_3 = arith.constant 0 : i32
    %add3A_4 = arith.addi %mul3A_2, %add3A_3 : i32
    "tpu.region"() ({
      %run_scoped3A = tpu.sem_alloc : memref<!tpu.dma_semaphore, #tpu.memory_space<semaphore_mem>>
      %dma_start3A_26 = arith.constant 0 : i32
      %dma_start3A_27 = tpu.memref_slice %arg10[%add3A_4, %dma_start3A_26] : memref<10240x128xf32, #tpu.memory_space<vmem_shared>> -> memref<240x128xf32, #tpu.memory_space<vmem_shared>>
      %dma_start3A_28 = arith.constant 0 : i32
      %dma_start3A_29 = arith.constant 0 : i32
      %dma_start3A_30 = tpu.memref_slice %arg2[%arg0, %dma_start3A_28, %dma_start3A_29] : memref<2x10240x128xf32, #tpu.memory_space<hbm>> -> memref<1x10240x128xf32, #tpu.memory_space<hbm>>
      %dma_start3A_31 = tpu.memref_squeeze %dma_start3A_30 : memref<1x10240x128xf32, #tpu.memory_space<hbm>> -> memref<10240x128xf32, #tpu.memory_space<hbm>>
      %dma_start3A_32 = arith.constant 10000 : i32
      %dma_start3A_33 = arith.constant 0 : i32
      %dma_start3A_34 = tpu.memref_slice %dma_start3A_31[%dma_start3A_32, %dma_start3A_33] : memref<10240x128xf32, #tpu.memory_space<hbm>> -> memref<240x128xf32, #tpu.memory_space<hbm>>
      tpu.enqueue_dma source(%dma_start3A_34 : memref<240x128xf32, #tpu.memory_space<hbm>>) target(%dma_start3A_27 : memref<240x128xf32, #tpu.memory_space<vmem_shared>>) target_semaphore(%run_scoped3A : memref<!tpu.dma_semaphore, #tpu.memory_space<semaphore_mem>>)
      %dma_wait3A = arith.constant 0 : i32
      %dma_wait3A_35 = tpu.memref_slice %arg10[%add3A_4, %dma_wait3A] : memref<10240x128xf32, #tpu.memory_space<vmem_shared>> -> memref<240x128xf32, #tpu.memory_space<vmem_shared>>
      %dma_wait3A_36 = arith.constant 0 : i32
      %dma_wait3A_37 = arith.constant 0 : i32
      %dma_wait3A_38 = tpu.memref_slice %arg2[%arg0, %dma_wait3A_36, %dma_wait3A_37] : memref<2x10240x128xf32, #tpu.memory_space<hbm>> -> memref<1x10240x128xf32, #tpu.memory_space<hbm>>
      %dma_wait3A_39 = tpu.memref_squeeze %dma_wait3A_38 : memref<1x10240x128xf32, #tpu.memory_space<hbm>> -> memref<10240x128xf32, #tpu.memory_space<hbm>>
      %dma_wait3A_40 = arith.constant 10000 : i32
      %dma_wait3A_41 = arith.constant 0 : i32
      %dma_wait3A_42 = tpu.memref_slice %dma_wait3A_39[%dma_wait3A_40, %dma_wait3A_41] : memref<10240x128xf32, #tpu.memory_space<hbm>> -> memref<240x128xf32, #tpu.memory_space<hbm>>
      tpu.wait_dma2 semaphore(%run_scoped3A : memref<!tpu.dma_semaphore, #tpu.memory_space<semaphore_mem>>) src(%dma_wait3A_42 : memref<240x128xf32, #tpu.memory_space<hbm>>) dst(%dma_wait3A_35 : memref<240x128xf32, #tpu.memory_space<vmem_shared>>)
      tpu.yield
    }) : () -> ()
    %add3A_5 = arith.constant 240 : i32
    %add3A_6 = arith.addi %mul3A_2, %add3A_5 : i32
    "tpu.region"() ({
      %run_scoped3A = tpu.sem_alloc : memref<!tpu.dma_semaphore, #tpu.memory_space<semaphore_mem>>
      %dma_start3A_26 = arith.constant 0 : i32
      %dma_start3A_27 = tpu.memref_slice %arg10[%add3A_6, %dma_start3A_26] : memref<10240x128xf32, #tpu.memory_space<vmem_shared>> -> memref<240x128xf32, #tpu.memory_space<vmem_shared>>
      %dma_start3A_28 = arith.constant 0 : i32
      %dma_start3A_29 = arith.constant 0 : i32
      %dma_start3A_30 = tpu.memref_slice %arg2[%arg0, %dma_start3A_28, %dma_start3A_29] : memref<2x10240x128xf32, #tpu.memory_space<hbm>> -> memref<1x10240x128xf32, #tpu.memory_space<hbm>>
      %dma_start3A_31 = tpu.memref_squeeze %dma_start3A_30 : memref<1x10240x128xf32, #tpu.memory_space<hbm>> -> memref<10240x128xf32, #tpu.memory_space<hbm>>
      %dma_start3A_32 = arith.constant 10000 : i32
      %dma_start3A_33 = arith.constant 0 : i32
      %dma_start3A_34 = tpu.memref_slice %dma_start3A_31[%dma_start3A_32, %dma_start3A_33] : memref<10240x128xf32, #tpu.memory_space<hbm>> -> memref<240x128xf32, #tpu.memory_space<hbm>>
      tpu.enqueue_dma source(%dma_start3A_34 : memref<240x128xf32, #tpu.memory_space<hbm>>) target(%dma_start3A_27 : memref<240x128xf32, #tpu.memory_space<vmem_shared>>) target_semaphore(%run_scoped3A : memref<!tpu.dma_semaphore, #tpu.memory_space<semaphore_mem>>)
      %dma_wait3A = arith.constant 0 : i32
      %dma_wait3A_35 = tpu.memref_slice %arg10[%add3A_6, %dma_wait3A] : memref<10240x128xf32, #tpu.memory_space<vmem_shared>> -> memref<240x128xf32, #tpu.memory_space<vmem_shared>>
      %dma_wait3A_36 = arith.constant 0 : i32
      %dma_wait3A_37 = arith.constant 0 : i32
      %dma_wait3A_38 = tpu.memref_slice %arg2[%arg0, %dma_wait3A_36, %dma_wait3A_37] : memref<2x10240x128xf32, #tpu.memory_space<hbm>> -> memref<1x10240x128xf32, #tpu.memory_space<hbm>>
      %dma_wait3A_39 = tpu.memref_squeeze %dma_wait3A_38 : memref<1x10240x128xf32, #tpu.memory_space<hbm>> -> memref<10240x128xf32, #tpu.memory_space<hbm>>
      %dma_wait3A_40 = arith.constant 10000 : i32
      %dma_wait3A_41 = arith.constant 0 : i32
      %dma_wait3A_42 = tpu.memref_slice %dma_wait3A_39[%dma_wait3A_40, %dma_wait3A_41] : memref<10240x128xf32, #tpu.memory_space<hbm>> -> memref<240x128xf32, #tpu.memory_space<hbm>>
      tpu.wait_dma2 semaphore(%run_scoped3A : memref<!tpu.dma_semaphore, #tpu.memory_space<semaphore_mem>>) src(%dma_wait3A_42 : memref<240x128xf32, #tpu.memory_space<hbm>>) dst(%dma_wait3A_35 : memref<240x128xf32, #tpu.memory_space<vmem_shared>>)
      tpu.yield
    }) : () -> ()
    %add3A_7 = arith.constant 480 : i32
    %add3A_8 = arith.addi %mul3A_2, %add3A_7 : i32
    "tpu.region"() ({
      %run_scoped3A = tpu.sem_alloc : memref<!tpu.dma_semaphore, #tpu.memory_space<semaphore_mem>>
      %dma_start3A_26 = arith.constant 0 : i32
      %dma_start3A_27 = tpu.memref_slice %arg10[%add3A_8, %dma_start3A_26] : memref<10240x128xf32, #tpu.memory_space<vmem_shared>> -> memref<160x128xf32, #tpu.memory_space<vmem_shared>>
      %dma_start3A_28 = arith.constant 0 : i32
      %dma_start3A_29 = arith.constant 0 : i32
      %dma_start3A_30 = tpu.memref_slice %arg2[%arg0, %dma_start3A_28, %dma_start3A_29] : memref<2x10240x128xf32, #tpu.memory_space<hbm>> -> memref<1x10240x128xf32, #tpu.memory_space<hbm>>
      %dma_start3A_31 = tpu.memref_squeeze %dma_start3A_30 : memref<1x10240x128xf32, #tpu.memory_space<hbm>> -> memref<10240x128xf32, #tpu.memory_space<hbm>>
      %dma_start3A_32 = arith.constant 10000 : i32
      %dma_start3A_33 = arith.constant 0 : i32
      %dma_start3A_34 = tpu.memref_slice %dma_start3A_31[%dma_start3A_32, %dma_start3A_33] : memref<10240x128xf32, #tpu.memory_space<hbm>> -> memref<160x128xf32, #tpu.memory_space<hbm>>
      tpu.enqueue_dma source(%dma_start3A_34 : memref<160x128xf32, #tpu.memory_space<hbm>>) target(%dma_start3A_27 : memref<160x128xf32, #tpu.memory_space<vmem_shared>>) target_semaphore(%run_scoped3A : memref<!tpu.dma_semaphore, #tpu.memory_space<semaphore_mem>>)
      %dma_wait3A = arith.constant 0 : i32
      %dma_wait3A_35 = tpu.memref_slice %arg10[%add3A_8, %dma_wait3A] : memref<10240x128xf32, #tpu.memory_space<vmem_shared>> -> memref<160x128xf32, #tpu.memory_space<vmem_shared>>
      %dma_wait3A_36 = arith.constant 0 : i32
      %dma_wait3A_37 = arith.constant 0 : i32
      %dma_wait3A_38 = tpu.memref_slice %arg2[%arg0, %dma_wait3A_36, %dma_wait3A_37] : memref<2x10240x128xf32, #tpu.memory_space<hbm>> -> memref<1x10240x128xf32, #tpu.memory_space<hbm>>
      %dma_wait3A_39 = tpu.memref_squeeze %dma_wait3A_38 : memref<1x10240x128xf32, #tpu.memory_space<hbm>> -> memref<10240x128xf32, #tpu.memory_space<hbm>>
      %dma_wait3A_40 = arith.constant 10000 : i32
      %dma_wait3A_41 = arith.constant 0 : i32
      %dma_wait3A_42 = tpu.memref_slice %dma_wait3A_39[%dma_wait3A_40, %dma_wait3A_41] : memref<10240x128xf32, #tpu.memory_space<hbm>> -> memref<160x128xf32, #tpu.memory_space<hbm>>
      tpu.wait_dma2 semaphore(%run_scoped3A : memref<!tpu.dma_semaphore, #tpu.memory_space<semaphore_mem>>) src(%dma_wait3A_42 : memref<160x128xf32, #tpu.memory_space<hbm>>) dst(%dma_wait3A_35 : memref<160x128xf32, #tpu.memory_space<vmem_shared>>)
      tpu.yield
    }) : () -> ()
    %barrier3A = arith.constant 0 : index
    tpu.barrier barrier_id(%barrier3A)
    "tpu.region"() ({
      %run_scoped3A = tpu.sem_alloc : memref<!tpu.dma_semaphore, #tpu.memory_space<semaphore_mem>>
      %dma_start3A_26 = arith.constant 0 : i32
      %dma_start3A_27 = arith.constant 0 : i32
      %dma_start3A_28 = tpu.memref_slice %arg3[%add3A, %dma_start3A_26, %dma_start3A_27] : memref<32x80x128xi32, #tpu.memory_space<hbm>> -> memref<1x80x128xi32, #tpu.memory_space<hbm>>
      %dma_start3A_29 = tpu.memref_squeeze %dma_start3A_28 : memref<1x80x128xi32, #tpu.memory_space<hbm>> -> memref<80x128xi32, #tpu.memory_space<hbm>>
      %dma_start3A_30 = arith.constant 0 : i32
      %dma_start3A_31 = arith.constant 0 : i32
      %dma_start3A_32 = tpu.memref_slice %arg3[%add3A, %dma_start3A_30, %dma_start3A_31] : memref<32x80x128xi32, #tpu.memory_space<hbm>> -> memref<1x80x128xi32, #tpu.memory_space<hbm>>
      %dma_start3A_33 = tpu.memref_squeeze %dma_start3A_32 : memref<1x80x128xi32, #tpu.memory_space<hbm>> -> memref<80x128xi32, #tpu.memory_space<hbm>>
      tpu.enqueue_dma source(%dma_start3A_33 : memref<80x128xi32, #tpu.memory_space<hbm>>) target(%arg6 : memref<80x128xi32, #tpu.memory_space<vmem>>) target_semaphore(%run_scoped3A : memref<!tpu.dma_semaphore, #tpu.memory_space<semaphore_mem>>)
      %dma_wait3A = arith.constant 0 : i32
      %dma_wait3A_34 = arith.constant 0 : i32
      %dma_wait3A_35 = tpu.memref_slice %arg3[%add3A, %dma_wait3A, %dma_wait3A_34] : memref<32x80x128xi32, #tpu.memory_space<hbm>> -> memref<1x80x128xi32, #tpu.memory_space<hbm>>
      %dma_wait3A_36 = tpu.memref_squeeze %dma_wait3A_35 : memref<1x80x128xi32, #tpu.memory_space<hbm>> -> memref<80x128xi32, #tpu.memory_space<hbm>>
      %dma_wait3A_37 = arith.constant 0 : i32
      %dma_wait3A_38 = arith.constant 0 : i32
      %dma_wait3A_39 = tpu.memref_slice %arg3[%add3A, %dma_wait3A_37, %dma_wait3A_38] : memref<32x80x128xi32, #tpu.memory_space<hbm>> -> memref<1x80x128xi32, #tpu.memory_space<hbm>>
      %dma_wait3A_40 = tpu.memref_squeeze %dma_wait3A_39 : memref<1x80x128xi32, #tpu.memory_space<hbm>> -> memref<80x128xi32, #tpu.memory_space<hbm>>
      tpu.wait_dma2 semaphore(%run_scoped3A : memref<!tpu.dma_semaphore, #tpu.memory_space<semaphore_mem>>) src(%dma_wait3A_40 : memref<80x128xi32, #tpu.memory_space<hbm>>) dst(%arg6 : memref<80x128xi32, #tpu.memory_space<vmem>>)
      tpu.yield
    }) : () -> ()
    "tpu.region"() ({
      %run_scoped3A = tpu.sem_alloc : memref<!tpu.dma_semaphore, #tpu.memory_space<semaphore_mem>>
      %dma_start3A_26 = arith.constant 0 : i32
      %dma_start3A_27 = arith.constant 0 : i32
      %dma_start3A_28 = tpu.memref_slice %arg4[%add3A, %dma_start3A_26, %dma_start3A_27] : memref<32x80x128xi32, #tpu.memory_space<hbm>> -> memref<1x40x128xi32, #tpu.memory_space<hbm>>
      %dma_start3A_29 = tpu.memref_squeeze %dma_start3A_28 : memref<1x40x128xi32, #tpu.memory_space<hbm>> -> memref<40x128xi32, #tpu.memory_space<hbm>>
      %dma_start3A_30 = arith.constant 0 : i32
      %dma_start3A_31 = arith.constant 0 : i32
      %dma_start3A_32 = tpu.memref_slice %arg4[%add3A, %dma_start3A_30, %dma_start3A_31] : memref<32x80x128xi32, #tpu.memory_space<hbm>> -> memref<1x40x128xi32, #tpu.memory_space<hbm>>
      %dma_start3A_33 = tpu.memref_squeeze %dma_start3A_32 : memref<1x40x128xi32, #tpu.memory_space<hbm>> -> memref<40x128xi32, #tpu.memory_space<hbm>>
      tpu.enqueue_dma source(%dma_start3A_33 : memref<40x128xi32, #tpu.memory_space<hbm>>) target(%arg7 : memref<40x128xi32, #tpu.memory_space<vmem>>) target_semaphore(%run_scoped3A : memref<!tpu.dma_semaphore, #tpu.memory_space<semaphore_mem>>)
      %dma_wait3A = arith.constant 0 : i32
      %dma_wait3A_34 = arith.constant 0 : i32
      %dma_wait3A_35 = tpu.memref_slice %arg4[%add3A, %dma_wait3A, %dma_wait3A_34] : memref<32x80x128xi32, #tpu.memory_space<hbm>> -> memref<1x40x128xi32, #tpu.memory_space<hbm>>
      %dma_wait3A_36 = tpu.memref_squeeze %dma_wait3A_35 : memref<1x40x128xi32, #tpu.memory_space<hbm>> -> memref<40x128xi32, #tpu.memory_space<hbm>>
      %dma_wait3A_37 = arith.constant 0 : i32
      %dma_wait3A_38 = arith.constant 0 : i32
      %dma_wait3A_39 = tpu.memref_slice %arg4[%add3A, %dma_wait3A_37, %dma_wait3A_38] : memref<32x80x128xi32, #tpu.memory_space<hbm>> -> memref<1x40x128xi32, #tpu.memory_space<hbm>>
      %dma_wait3A_40 = tpu.memref_squeeze %dma_wait3A_39 : memref<1x40x128xi32, #tpu.memory_space<hbm>> -> memref<40x128xi32, #tpu.memory_space<hbm>>
      tpu.wait_dma2 semaphore(%run_scoped3A : memref<!tpu.dma_semaphore, #tpu.memory_space<semaphore_mem>>) src(%dma_wait3A_40 : memref<40x128xi32, #tpu.memory_space<hbm>>) dst(%arg7 : memref<40x128xi32, #tpu.memory_space<vmem>>)
      tpu.yield
    }) : () -> ()
    %dma_start3A = arith.constant 0 : i32
    %dma_start3A_9 = arith.constant 0 : i32
    %dma_start3A_10 = tpu.memref_slice %arg6[%dma_start3A, %dma_start3A_9] : memref<80x128xi32, #tpu.memory_space<vmem>> -> memref<1x128xi32, #tpu.memory_space<vmem>>
    %dma_start3A_11 = tpu.memref_squeeze %dma_start3A_10 : memref<1x128xi32, #tpu.memory_space<vmem>> -> memref<128xi32, #tpu.memory_space<vmem>>
    %dma_start3A_12 = arith.constant 0 : i32
    %dma_start3A_13 = arith.constant 0 : i32
    %dma_start3A_14 = tpu.memref_slice %arg2[%arg0, %dma_start3A_12, %dma_start3A_13] : memref<2x10240x128xf32, #tpu.memory_space<hbm>> -> memref<1x10240x128xf32, #tpu.memory_space<hbm>>
    %dma_start3A_15 = tpu.memref_squeeze %dma_start3A_14 : memref<1x10240x128xf32, #tpu.memory_space<hbm>> -> memref<10240x128xf32, #tpu.memory_space<hbm>>
    %dma_start3A_16 = arith.constant 0 : i32
    %dma_start3A_17 = arith.constant 0 : i32
    %dma_start3A_18 = tpu.memref_slice %dma_start3A_15[%dma_start3A_16, %dma_start3A_17] : memref<10240x128xf32, #tpu.memory_space<hbm>> -> memref<10240x128xf32, #tpu.memory_space<hbm>>
    tpu.enqueue_indirect_dma source(%dma_start3A_18 : memref<10240x128xf32, #tpu.memory_space<hbm>>) target(%arg8 : memref<128x128xf32, #tpu.memory_space<vmem>>) offsets(%dma_start3A_11 : memref<128xi32, #tpu.memory_space<vmem>>) semaphore(%arg11 : memref<!tpu.dma_semaphore, #tpu.memory_space<semaphore_mem>>)
    %scan3A = arith.constant 0 : i32
    %scan3A_19 = arith.constant 0 : i32
    %scan3A_20 = arith.constant 40 : i32
    %scan3A_21 = arith.addi %scan3A_19, %scan3A_20 : i32
    %scan3A_22 = arith.constant 1 : i32
    %scan3A_23 = scf.for %scan3A_26 = %scan3A_19 to %scan3A_21 step %scan3A_22 iter_args(%scan3A_27 = %scan3A) -> (i32)  : i32 {
      %mul3A_28 = arith.constant 2 : i32
      %mul3A_29 = arith.muli %mul3A_28, %scan3A_26 : i32
      %jit3A = arith.constant 40 : i32
      %div3A = arith.divsi %mul3A_29, %jit3A : i32
      %sign3A = arith.constant 0 : i32
      %sign3A_30 = arith.cmpi sgt, %mul3A_29, %sign3A : i32
      %sign3A_31 = arith.extui %sign3A_30 : i1 to i32
      %sign3A_32 = arith.constant 0 : i32
      %sign3A_33 = arith.cmpi slt, %mul3A_29, %sign3A_32 : i32
      %sign3A_34 = arith.extui %sign3A_33 : i1 to i32
      %sign3A_35 = arith.subi %sign3A_31, %sign3A_34 : i32
      %sign3A_36 = arith.constant 0 : i32
      %sign3A_37 = arith.cmpi sgt, %jit3A, %sign3A_36 : i32
      %sign3A_38 = arith.extui %sign3A_37 : i1 to i32
      %sign3A_39 = arith.constant 0 : i32
      %sign3A_40 = arith.cmpi slt, %jit3A, %sign3A_39 : i32
      %sign3A_41 = arith.extui %sign3A_40 : i1 to i32
      %sign3A_42 = arith.subi %sign3A_38, %sign3A_41 : i32
      %ne3A = arith.cmpi ne, %sign3A_35, %sign3A_42 : i32
      %rem3A = arith.remsi %mul3A_29, %jit3A : i32
      %ne3A_43 = arith.constant 0 : i32
      %ne3A_44 = arith.cmpi ne, %rem3A, %ne3A_43 : i32
      %and3A = arith.andi %ne3A, %ne3A_44 : i1
      %sub3A = arith.constant 1 : i32
      %sub3A_45 = arith.subi %div3A, %sub3A : i32
      %select_n3A = arith.select %and3A, %sub3A_45, %div3A : i32
      %mul3A_46 = arith.constant 40 : i32
      %mul3A_47 = arith.muli %mul3A_46, %select_n3A : i32
      %sub3A_48 = arith.subi %mul3A_29, %mul3A_47 : i32
      %eq3A = arith.constant 40 : i32
      %eq3A_49 = arith.cmpi eq, %mul3A_29, %eq3A : i32
      %convert_element_type3A = arith.extui %eq3A_49 : i1 to i32
      %cond3A = arith.constant 0 : i32
      %cond3A_50 = arith.cmpi ne, %convert_element_type3A, %cond3A : i32
      scf.if %cond3A_50 {
        "tpu.region"() ({
          %run_scoped3A = tpu.sem_alloc : memref<!tpu.dma_semaphore, #tpu.memory_space<semaphore_mem>>
          %dma_start3A_93 = arith.constant 40 : i32
          %dma_start3A_94 = arith.constant 0 : i32
          %dma_start3A_95 = tpu.memref_slice %arg4[%add3A, %dma_start3A_93, %dma_start3A_94] : memref<32x80x128xi32, #tpu.memory_space<hbm>> -> memref<1x40x128xi32, #tpu.memory_space<hbm>>
          %dma_start3A_96 = tpu.memref_squeeze %dma_start3A_95 : memref<1x40x128xi32, #tpu.memory_space<hbm>> -> memref<40x128xi32, #tpu.memory_space<hbm>>
          %dma_start3A_97 = arith.constant 40 : i32
          %dma_start3A_98 = arith.constant 0 : i32
          %dma_start3A_99 = tpu.memref_slice %arg4[%add3A, %dma_start3A_97, %dma_start3A_98] : memref<32x80x128xi32, #tpu.memory_space<hbm>> -> memref<1x40x128xi32, #tpu.memory_space<hbm>>
          %dma_start3A_100 = tpu.memref_squeeze %dma_start3A_99 : memref<1x40x128xi32, #tpu.memory_space<hbm>> -> memref<40x128xi32, #tpu.memory_space<hbm>>
          tpu.enqueue_dma source(%dma_start3A_100 : memref<40x128xi32, #tpu.memory_space<hbm>>) target(%arg7 : memref<40x128xi32, #tpu.memory_space<vmem>>) target_semaphore(%run_scoped3A : memref<!tpu.dma_semaphore, #tpu.memory_space<semaphore_mem>>)
          %dma_wait3A_101 = arith.constant 40 : i32
          %dma_wait3A_102 = arith.constant 0 : i32
          %dma_wait3A_103 = tpu.memref_slice %arg4[%add3A, %dma_wait3A_101, %dma_wait3A_102] : memref<32x80x128xi32, #tpu.memory_space<hbm>> -> memref<1x40x128xi32, #tpu.memory_space<hbm>>
          %dma_wait3A_104 = tpu.memref_squeeze %dma_wait3A_103 : memref<1x40x128xi32, #tpu.memory_space<hbm>> -> memref<40x128xi32, #tpu.memory_space<hbm>>
          %dma_wait3A_105 = arith.constant 40 : i32
          %dma_wait3A_106 = arith.constant 0 : i32
          %dma_wait3A_107 = tpu.memref_slice %arg4[%add3A, %dma_wait3A_105, %dma_wait3A_106] : memref<32x80x128xi32, #tpu.memory_space<hbm>> -> memref<1x40x128xi32, #tpu.memory_space<hbm>>
          %dma_wait3A_108 = tpu.memref_squeeze %dma_wait3A_107 : memref<1x40x128xi32, #tpu.memory_space<hbm>> -> memref<40x128xi32, #tpu.memory_space<hbm>>
          tpu.wait_dma2 semaphore(%run_scoped3A : memref<!tpu.dma_semaphore, #tpu.memory_space<semaphore_mem>>) src(%dma_wait3A_108 : memref<40x128xi32, #tpu.memory_space<hbm>>) dst(%arg7 : memref<40x128xi32, #tpu.memory_space<vmem>>)
          tpu.yield
        }) : () -> ()
      } else {
      }
      %add3A_51 = arith.constant 1 : i32
      %add3A_52 = arith.addi %mul3A_29, %add3A_51 : i32
      %dma_start3A_53 = arith.constant 0 : i32
      %dma_start3A_54 = tpu.memref_slice %arg6[%add3A_52, %dma_start3A_53] : memref<80x128xi32, #tpu.memory_space<vmem>> -> memref<1x128xi32, #tpu.memory_space<vmem>>
      %dma_start3A_55 = tpu.memref_squeeze %dma_start3A_54 : memref<1x128xi32, #tpu.memory_space<vmem>> -> memref<128xi32, #tpu.memory_space<vmem>>
      %dma_start3A_56 = arith.constant 0 : i32
      %dma_start3A_57 = arith.constant 0 : i32
      %dma_start3A_58 = tpu.memref_slice %arg2[%arg0, %dma_start3A_56, %dma_start3A_57] : memref<2x10240x128xf32, #tpu.memory_space<hbm>> -> memref<1x10240x128xf32, #tpu.memory_space<hbm>>
      %dma_start3A_59 = tpu.memref_squeeze %dma_start3A_58 : memref<1x10240x128xf32, #tpu.memory_space<hbm>> -> memref<10240x128xf32, #tpu.memory_space<hbm>>
      %dma_start3A_60 = arith.constant 0 : i32
      %dma_start3A_61 = arith.constant 0 : i32
      %dma_start3A_62 = tpu.memref_slice %dma_start3A_59[%dma_start3A_60, %dma_start3A_61] : memref<10240x128xf32, #tpu.memory_space<hbm>> -> memref<10240x128xf32, #tpu.memory_space<hbm>>
      tpu.enqueue_indirect_dma source(%dma_start3A_62 : memref<10240x128xf32, #tpu.memory_space<hbm>>) target(%arg9 : memref<128x128xf32, #tpu.memory_space<vmem>>) offsets(%dma_start3A_55 : memref<128xi32, #tpu.memory_space<vmem>>) semaphore(%arg12 : memref<!tpu.dma_semaphore, #tpu.memory_space<semaphore_mem>>)
      %dma_wait3A = arith.constant 0 : i32
      %dma_wait3A_63 = tpu.memref_slice %arg6[%mul3A_29, %dma_wait3A] : memref<80x128xi32, #tpu.memory_space<vmem>> -> memref<1x128xi32, #tpu.memory_space<vmem>>
      %dma_wait3A_64 = tpu.memref_squeeze %dma_wait3A_63 : memref<1x128xi32, #tpu.memory_space<vmem>> -> memref<128xi32, #tpu.memory_space<vmem>>
      %dma_wait3A_65 = arith.constant 0 : i32
      %dma_wait3A_66 = arith.constant 0 : i32
      %dma_wait3A_67 = tpu.memref_slice %arg2[%arg0, %dma_wait3A_65, %dma_wait3A_66] : memref<2x10240x128xf32, #tpu.memory_space<hbm>> -> memref<1x10240x128xf32, #tpu.memory_space<hbm>>
      %dma_wait3A_68 = tpu.memref_squeeze %dma_wait3A_67 : memref<1x10240x128xf32, #tpu.memory_space<hbm>> -> memref<10240x128xf32, #tpu.memory_space<hbm>>
      %dma_wait3A_69 = arith.constant 0 : i32
      %dma_wait3A_70 = arith.constant 0 : i32
      %dma_wait3A_71 = tpu.memref_slice %dma_wait3A_68[%dma_wait3A_69, %dma_wait3A_70] : memref<10240x128xf32, #tpu.memory_space<hbm>> -> memref<10240x128xf32, #tpu.memory_space<hbm>>
      tpu.wait_indirect_dma semaphore(%arg11 : memref<!tpu.dma_semaphore, #tpu.memory_space<semaphore_mem>>) src(%dma_wait3A_71 : memref<10240x128xf32, #tpu.memory_space<hbm>>) dst(%arg8 : memref<128x128xf32, #tpu.memory_space<vmem>>)
      "tpu.region"() ({
        %run_scoped3A = tpu.sem_alloc : memref<!tpu.dma_semaphore, #tpu.memory_space<semaphore_mem>>
        %dma_start3A_93 = arith.constant 0 : i32
        %dma_start3A_94 = tpu.memref_slice %arg7[%sub3A_48, %dma_start3A_93] : memref<40x128xi32, #tpu.memory_space<vmem>> -> memref<1x128xi32, #tpu.memory_space<vmem>>
        %dma_start3A_95 = tpu.memref_squeeze %dma_start3A_94 : memref<1x128xi32, #tpu.memory_space<vmem>> -> memref<128xi32, #tpu.memory_space<vmem>>
        %dma_start3A_96 = arith.constant 0 : i32
        %dma_start3A_97 = arith.constant 0 : i32
        %dma_start3A_98 = tpu.memref_slice %arg10[%dma_start3A_96, %dma_start3A_97] : memref<10240x128xf32, #tpu.memory_space<vmem_shared>> -> memref<10240x128xf32, #tpu.memory_space<vmem_shared>>
        tpu.enqueue_indirect_dma source(%arg8 : memref<128x128xf32, #tpu.memory_space<vmem>>) target(%dma_start3A_98 : memref<10240x128xf32, #tpu.memory_space<vmem_shared>>) offsets(%dma_start3A_95 : memref<128xi32, #tpu.memory_space<vmem>>) semaphore(%run_scoped3A : memref<!tpu.dma_semaphore, #tpu.memory_space<semaphore_mem>>) {add = true}
        %dma_wait3A_99 = arith.constant 0 : i32
        %dma_wait3A_100 = tpu.memref_slice %arg7[%sub3A_48, %dma_wait3A_99] : memref<40x128xi32, #tpu.memory_space<vmem>> -> memref<1x128xi32, #tpu.memory_space<vmem>>
        %dma_wait3A_101 = tpu.memref_squeeze %dma_wait3A_100 : memref<1x128xi32, #tpu.memory_space<vmem>> -> memref<128xi32, #tpu.memory_space<vmem>>
        %dma_wait3A_102 = arith.constant 0 : i32
        %dma_wait3A_103 = arith.constant 0 : i32
        %dma_wait3A_104 = tpu.memref_slice %arg10[%dma_wait3A_102, %dma_wait3A_103] : memref<10240x128xf32, #tpu.memory_space<vmem_shared>> -> memref<10240x128xf32, #tpu.memory_space<vmem_shared>>
        tpu.wait_indirect_dma semaphore(%run_scoped3A : memref<!tpu.dma_semaphore, #tpu.memory_space<semaphore_mem>>) src(%arg8 : memref<128x128xf32, #tpu.memory_space<vmem>>) dst(%dma_wait3A_104 : memref<10240x128xf32, #tpu.memory_space<vmem_shared>>)
        tpu.yield
      }) : () -> ()
      %add3A_72 = arith.constant 2 : i32
      %add3A_73 = arith.addi %mul3A_29, %add3A_72 : i32
      %lt3A = arith.constant 80 : i32
      %lt3A_74 = arith.cmpi slt, %add3A_73, %lt3A : i32
      %convert_element_type3A_75 = arith.extui %lt3A_74 : i1 to i32
      %cond3A_76 = arith.constant 0 : i32
      %cond3A_77 = arith.cmpi ne, %convert_element_type3A_75, %cond3A_76 : i32
      scf.if %cond3A_77 {
        %add3A_93 = arith.constant 2 : i32
        %add3A_94 = arith.addi %mul3A_29, %add3A_93 : i32
        %dma_start3A_95 = arith.constant 0 : i32
        %dma_start3A_96 = tpu.memref_slice %arg6[%add3A_94, %dma_start3A_95] : memref<80x128xi32, #tpu.memory_space<vmem>> -> memref<1x128xi32, #tpu.memory_space<vmem>>
        %dma_start3A_97 = tpu.memref_squeeze %dma_start3A_96 : memref<1x128xi32, #tpu.memory_space<vmem>> -> memref<128xi32, #tpu.memory_space<vmem>>
        %dma_start3A_98 = arith.constant 0 : i32
        %dma_start3A_99 = arith.constant 0 : i32
        %dma_start3A_100 = tpu.memref_slice %arg2[%arg0, %dma_start3A_98, %dma_start3A_99] : memref<2x10240x128xf32, #tpu.memory_space<hbm>> -> memref<1x10240x128xf32, #tpu.memory_space<hbm>>
        %dma_start3A_101 = tpu.memref_squeeze %dma_start3A_100 : memref<1x10240x128xf32, #tpu.memory_space<hbm>> -> memref<10240x128xf32, #tpu.memory_space<hbm>>
        %dma_start3A_102 = arith.constant 0 : i32
        %dma_start3A_103 = arith.constant 0 : i32
        %dma_start3A_104 = tpu.memref_slice %dma_start3A_101[%dma_start3A_102, %dma_start3A_103] : memref<10240x128xf32, #tpu.memory_space<hbm>> -> memref<10240x128xf32, #tpu.memory_space<hbm>>
        tpu.enqueue_indirect_dma source(%dma_start3A_104 : memref<10240x128xf32, #tpu.memory_space<hbm>>) target(%arg8 : memref<128x128xf32, #tpu.memory_space<vmem>>) offsets(%dma_start3A_97 : memref<128xi32, #tpu.memory_space<vmem>>) semaphore(%arg11 : memref<!tpu.dma_semaphore, #tpu.memory_space<semaphore_mem>>)
      } else {
      }
      %add3A_78 = arith.constant 1 : i32
      %add3A_79 = arith.addi %mul3A_29, %add3A_78 : i32
      %dma_wait3A_80 = arith.constant 0 : i32
      %dma_wait3A_81 = tpu.memref_slice %arg6[%add3A_79, %dma_wait3A_80] : memref<80x128xi32, #tpu.memory_space<vmem>> -> memref<1x128xi32, #tpu.memory_space<vmem>>
      %dma_wait3A_82 = tpu.memref_squeeze %dma_wait3A_81 : memref<1x128xi32, #tpu.memory_space<vmem>> -> memref<128xi32, #tpu.memory_space<vmem>>
      %dma_wait3A_83 = arith.constant 0 : i32
      %dma_wait3A_84 = arith.constant 0 : i32
      %dma_wait3A_85 = tpu.memref_slice %arg2[%arg0, %dma_wait3A_83, %dma_wait3A_84] : memref<2x10240x128xf32, #tpu.memory_space<hbm>> -> memref<1x10240x128xf32, #tpu.memory_space<hbm>>
      %dma_wait3A_86 = tpu.memref_squeeze %dma_wait3A_85 : memref<1x10240x128xf32, #tpu.memory_space<hbm>> -> memref<10240x128xf32, #tpu.memory_space<hbm>>
      %dma_wait3A_87 = arith.constant 0 : i32
      %dma_wait3A_88 = arith.constant 0 : i32
      %dma_wait3A_89 = tpu.memref_slice %dma_wait3A_86[%dma_wait3A_87, %dma_wait3A_88] : memref<10240x128xf32, #tpu.memory_space<hbm>> -> memref<10240x128xf32, #tpu.memory_space<hbm>>
      tpu.wait_indirect_dma semaphore(%arg12 : memref<!tpu.dma_semaphore, #tpu.memory_space<semaphore_mem>>) src(%dma_wait3A_89 : memref<10240x128xf32, #tpu.memory_space<hbm>>) dst(%arg9 : memref<128x128xf32, #tpu.memory_space<vmem>>)
      %add3A_90 = arith.constant 1 : i32
      %add3A_91 = arith.addi %sub3A_48, %add3A_90 : i32
      "tpu.region"() ({
        %run_scoped3A = tpu.sem_alloc : memref<!tpu.dma_semaphore, #tpu.memory_space<semaphore_mem>>
        %dma_start3A_93 = arith.constant 0 : i32
        %dma_start3A_94 = tpu.memref_slice %arg7[%add3A_91, %dma_start3A_93] : memref<40x128xi32, #tpu.memory_space<vmem>> -> memref<1x128xi32, #tpu.memory_space<vmem>>
        %dma_start3A_95 = tpu.memref_squeeze %dma_start3A_94 : memref<1x128xi32, #tpu.memory_space<vmem>> -> memref<128xi32, #tpu.memory_space<vmem>>
        %dma_start3A_96 = arith.constant 0 : i32
        %dma_start3A_97 = arith.constant 0 : i32
        %dma_start3A_98 = tpu.memref_slice %arg10[%dma_start3A_96, %dma_start3A_97] : memref<10240x128xf32, #tpu.memory_space<vmem_shared>> -> memref<10240x128xf32, #tpu.memory_space<vmem_shared>>
        tpu.enqueue_indirect_dma source(%arg9 : memref<128x128xf32, #tpu.memory_space<vmem>>) target(%dma_start3A_98 : memref<10240x128xf32, #tpu.memory_space<vmem_shared>>) offsets(%dma_start3A_95 : memref<128xi32, #tpu.memory_space<vmem>>) semaphore(%run_scoped3A : memref<!tpu.dma_semaphore, #tpu.memory_space<semaphore_mem>>) {add = true}
        %dma_wait3A_99 = arith.constant 0 : i32
        %dma_wait3A_100 = tpu.memref_slice %arg7[%add3A_91, %dma_wait3A_99] : memref<40x128xi32, #tpu.memory_space<vmem>> -> memref<1x128xi32, #tpu.memory_space<vmem>>
        %dma_wait3A_101 = tpu.memref_squeeze %dma_wait3A_100 : memref<1x128xi32, #tpu.memory_space<vmem>> -> memref<128xi32, #tpu.memory_space<vmem>>
        %dma_wait3A_102 = arith.constant 0 : i32
        %dma_wait3A_103 = arith.constant 0 : i32
        %dma_wait3A_104 = tpu.memref_slice %arg10[%dma_wait3A_102, %dma_wait3A_103] : memref<10240x128xf32, #tpu.memory_space<vmem_shared>> -> memref<10240x128xf32, #tpu.memory_space<vmem_shared>>
        tpu.wait_indirect_dma semaphore(%run_scoped3A : memref<!tpu.dma_semaphore, #tpu.memory_space<semaphore_mem>>) src(%arg9 : memref<128x128xf32, #tpu.memory_space<vmem>>) dst(%dma_wait3A_104 : memref<10240x128xf32, #tpu.memory_space<vmem_shared>>)
        tpu.yield
      }) : () -> ()
      %scan3A_92 = arith.constant 0 : i32
      scf.yield %scan3A_92 : i32
    }
    %scan3A_24 = arith.constant 40 : i32
    %barrier3A_25 = arith.constant 0 : index
    tpu.barrier barrier_id(%barrier3A_25)
    "tpu.region"() ({
      %run_scoped3A = tpu.sem_alloc : memref<!tpu.dma_semaphore, #tpu.memory_space<semaphore_mem>>
      %dma_start3A_26 = arith.constant 0 : i32
      %dma_start3A_27 = tpu.memref_slice %arg5[%arg0, %mul3A_2, %dma_start3A_26] : memref<2x10240x128xf32, #tpu.memory_space<hbm>> -> memref<1x640x128xf32, #tpu.memory_space<hbm>>
      %dma_start3A_28 = tpu.memref_squeeze %dma_start3A_27 : memref<1x640x128xf32, #tpu.memory_space<hbm>> -> memref<640x128xf32, #tpu.memory_space<hbm>>
      %dma_start3A_29 = arith.constant 0 : i32
      %dma_start3A_30 = tpu.memref_slice %arg10[%mul3A_2, %dma_start3A_29] : memref<10240x128xf32, #tpu.memory_space<vmem_shared>> -> memref<640x128xf32, #tpu.memory_space<vmem_shared>>
      tpu.enqueue_dma source(%dma_start3A_30 : memref<640x128xf32, #tpu.memory_space<vmem_shared>>) target(%dma_start3A_28 : memref<640x128xf32, #tpu.memory_space<hbm>>) target_semaphore(%run_scoped3A : memref<!tpu.dma_semaphore, #tpu.memory_space<semaphore_mem>>)
      %dma_wait3A = arith.constant 0 : i32
      %dma_wait3A_31 = tpu.memref_slice %arg5[%arg0, %mul3A_2, %dma_wait3A] : memref<2x10240x128xf32, #tpu.memory_space<hbm>> -> memref<1x640x128xf32, #tpu.memory_space<hbm>>
      %dma_wait3A_32 = tpu.memref_squeeze %dma_wait3A_31 : memref<1x640x128xf32, #tpu.memory_space<hbm>> -> memref<640x128xf32, #tpu.memory_space<hbm>>
      %dma_wait3A_33 = arith.constant 0 : i32
      %dma_wait3A_34 = tpu.memref_slice %arg10[%mul3A_2, %dma_wait3A_33] : memref<10240x128xf32, #tpu.memory_space<vmem_shared>> -> memref<640x128xf32, #tpu.memory_space<vmem_shared>>
      tpu.wait_dma2 semaphore(%run_scoped3A : memref<!tpu.dma_semaphore, #tpu.memory_space<semaphore_mem>>) src(%dma_wait3A_34 : memref<640x128xf32, #tpu.memory_space<vmem_shared>>) dst(%dma_wait3A_32 : memref<640x128xf32, #tpu.memory_space<hbm>>)
      tpu.yield
    }) : () -> ()
    return
  }
}

#map = affine_map<(d0, d1) -> (0, 0, 0)>
module attributes {stable_mosaic.version = 14 : i64} {
  func.func @_deg_kernel(%arg0: i32, %arg1: i32, %arg2: memref<32x80x128xi32, #tpu.memory_space<hbm>>, %arg3: memref<32x80x128xi32, #tpu.memory_space<hbm>>, %arg4: memref<32x2x10240xf32, #tpu.memory_space<hbm>>, %arg5: memref<80x128xi32, #tpu.memory_space<vmem>>, %arg6: memref<80x128xi32, #tpu.memory_space<vmem>>, %arg7: memref<10240xf32, #tpu.memory_space<vmem>>, %arg8: memref<10240xf32, #tpu.memory_space<vmem>>) attributes {dimension_semantics = [#tpu.dimension_semantics<core_parallel>, #tpu.dimension_semantics<subcore_parallel>], iteration_bounds = array<i64: 2, 16>, scalar_prefetch = 0 : i64, scratch_operands = 4 : i64, tpu.core_type = #tpu.core_type<sc_vector_subcore>, window_params = [{transform_indices = #map}, {transform_indices = #map}, {transform_indices = #map}]} {
    %mul3A = arith.constant 2 : i32
    %mul3A_0 = arith.muli %arg1, %mul3A : i32
    %add3A = arith.addi %mul3A_0, %arg0 : i32
    %broadcast_in_dim3A = arith.constant 0.000000e+00 : f32
    %broadcast_in_dim3A_1 = vector.broadcast %broadcast_in_dim3A : f32 to vector<16xf32>
    %scan3A = arith.constant 0 : i32
    %scan3A_2 = arith.constant 0 : i32
    %scan3A_3 = arith.constant 640 : i32
    %scan3A_4 = arith.addi %scan3A_2, %scan3A_3 : i32
    %scan3A_5 = arith.constant 1 : i32
    %scan3A_6 = scf.for %scan3A_18 = %scan3A_2 to %scan3A_4 step %scan3A_5 iter_args(%scan3A_19 = %scan3A) -> (i32)  : i32 {
      %mul3A_20 = arith.constant 16 : i32
      %mul3A_21 = arith.muli %scan3A_18, %mul3A_20 : i32
      %swap3A = arith.index_cast %mul3A_21 : i32 to index
      %swap3A_22 = tpu.vector_load %arg7[%swap3A] {strides = array<i32>} : memref<10240xf32, #tpu.memory_space<vmem>>, vector<16xf32>,
      tpu.vector_store %arg7[%swap3A], %broadcast_in_dim3A_1 {strides = array<i32>} : memref<10240xf32, #tpu.memory_space<vmem>>, vector<16xf32>,
      %mul3A_23 = arith.constant 16 : i32
      %mul3A_24 = arith.muli %scan3A_18, %mul3A_23 : i32
      %swap3A_25 = arith.index_cast %mul3A_24 : i32 to index
      %swap3A_26 = tpu.vector_load %arg8[%swap3A_25] {strides = array<i32>} : memref<10240xf32, #tpu.memory_space<vmem>>, vector<16xf32>,
      tpu.vector_store %arg8[%swap3A_25], %broadcast_in_dim3A_1 {strides = array<i32>} : memref<10240xf32, #tpu.memory_space<vmem>>, vector<16xf32>,
      %scan3A_27 = arith.constant 0 : i32
      scf.yield %scan3A_27 : i32
    }
    %scan3A_7 = arith.constant 640 : i32
    "tpu.region"() ({
      %run_scoped3A_18 = tpu.sem_alloc : memref<!tpu.dma_semaphore, #tpu.memory_space<semaphore_mem>>
      %dma_start3A = arith.constant 0 : i32
      %dma_start3A_19 = arith.constant 0 : i32
      %dma_start3A_20 = tpu.memref_slice %arg2[%add3A, %dma_start3A, %dma_start3A_19] : memref<32x80x128xi32, #tpu.memory_space<hbm>> -> memref<1x80x128xi32, #tpu.memory_space<hbm>>
      %dma_start3A_21 = tpu.memref_squeeze %dma_start3A_20 : memref<1x80x128xi32, #tpu.memory_space<hbm>> -> memref<80x128xi32, #tpu.memory_space<hbm>>
      %dma_start3A_22 = arith.constant 0 : i32
      %dma_start3A_23 = arith.constant 0 : i32
      %dma_start3A_24 = tpu.memref_slice %arg2[%add3A, %dma_start3A_22, %dma_start3A_23] : memref<32x80x128xi32, #tpu.memory_space<hbm>> -> memref<1x80x128xi32, #tpu.memory_space<hbm>>
      %dma_start3A_25 = tpu.memref_squeeze %dma_start3A_24 : memref<1x80x128xi32, #tpu.memory_space<hbm>> -> memref<80x128xi32, #tpu.memory_space<hbm>>
      tpu.enqueue_dma source(%dma_start3A_25 : memref<80x128xi32, #tpu.memory_space<hbm>>) target(%arg5 : memref<80x128xi32, #tpu.memory_space<vmem>>) target_semaphore(%run_scoped3A_18 : memref<!tpu.dma_semaphore, #tpu.memory_space<semaphore_mem>>)
      %dma_wait3A = arith.constant 0 : i32
      %dma_wait3A_26 = arith.constant 0 : i32
      %dma_wait3A_27 = tpu.memref_slice %arg2[%add3A, %dma_wait3A, %dma_wait3A_26] : memref<32x80x128xi32, #tpu.memory_space<hbm>> -> memref<1x80x128xi32, #tpu.memory_space<hbm>>
      %dma_wait3A_28 = tpu.memref_squeeze %dma_wait3A_27 : memref<1x80x128xi32, #tpu.memory_space<hbm>> -> memref<80x128xi32, #tpu.memory_space<hbm>>
      %dma_wait3A_29 = arith.constant 0 : i32
      %dma_wait3A_30 = arith.constant 0 : i32
      %dma_wait3A_31 = tpu.memref_slice %arg2[%add3A, %dma_wait3A_29, %dma_wait3A_30] : memref<32x80x128xi32, #tpu.memory_space<hbm>> -> memref<1x80x128xi32, #tpu.memory_space<hbm>>
      %dma_wait3A_32 = tpu.memref_squeeze %dma_wait3A_31 : memref<1x80x128xi32, #tpu.memory_space<hbm>> -> memref<80x128xi32, #tpu.memory_space<hbm>>
      tpu.wait_dma2 semaphore(%run_scoped3A_18 : memref<!tpu.dma_semaphore, #tpu.memory_space<semaphore_mem>>) src(%dma_wait3A_32 : memref<80x128xi32, #tpu.memory_space<hbm>>) dst(%arg5 : memref<80x128xi32, #tpu.memory_space<vmem>>)
      tpu.yield
    }) : () -> ()
    "tpu.region"() ({
      %run_scoped3A_18 = tpu.sem_alloc : memref<!tpu.dma_semaphore, #tpu.memory_space<semaphore_mem>>
      %dma_start3A = arith.constant 0 : i32
      %dma_start3A_19 = arith.constant 0 : i32
      %dma_start3A_20 = tpu.memref_slice %arg3[%add3A, %dma_start3A, %dma_start3A_19] : memref<32x80x128xi32, #tpu.memory_space<hbm>> -> memref<1x80x128xi32, #tpu.memory_space<hbm>>
      %dma_start3A_21 = tpu.memref_squeeze %dma_start3A_20 : memref<1x80x128xi32, #tpu.memory_space<hbm>> -> memref<80x128xi32, #tpu.memory_space<hbm>>
      %dma_start3A_22 = arith.constant 0 : i32
      %dma_start3A_23 = arith.constant 0 : i32
      %dma_start3A_24 = tpu.memref_slice %arg3[%add3A, %dma_start3A_22, %dma_start3A_23] : memref<32x80x128xi32, #tpu.memory_space<hbm>> -> memref<1x80x128xi32, #tpu.memory_space<hbm>>
      %dma_start3A_25 = tpu.memref_squeeze %dma_start3A_24 : memref<1x80x128xi32, #tpu.memory_space<hbm>> -> memref<80x128xi32, #tpu.memory_space<hbm>>
      tpu.enqueue_dma source(%dma_start3A_25 : memref<80x128xi32, #tpu.memory_space<hbm>>) target(%arg6 : memref<80x128xi32, #tpu.memory_space<vmem>>) target_semaphore(%run_scoped3A_18 : memref<!tpu.dma_semaphore, #tpu.memory_space<semaphore_mem>>)
      %dma_wait3A = arith.constant 0 : i32
      %dma_wait3A_26 = arith.constant 0 : i32
      %dma_wait3A_27 = tpu.memref_slice %arg3[%add3A, %dma_wait3A, %dma_wait3A_26] : memref<32x80x128xi32, #tpu.memory_space<hbm>> -> memref<1x80x128xi32, #tpu.memory_space<hbm>>
      %dma_wait3A_28 = tpu.memref_squeeze %dma_wait3A_27 : memref<1x80x128xi32, #tpu.memory_space<hbm>> -> memref<80x128xi32, #tpu.memory_space<hbm>>
      %dma_wait3A_29 = arith.constant 0 : i32
      %dma_wait3A_30 = arith.constant 0 : i32
      %dma_wait3A_31 = tpu.memref_slice %arg3[%add3A, %dma_wait3A_29, %dma_wait3A_30] : memref<32x80x128xi32, #tpu.memory_space<hbm>> -> memref<1x80x128xi32, #tpu.memory_space<hbm>>
      %dma_wait3A_32 = tpu.memref_squeeze %dma_wait3A_31 : memref<1x80x128xi32, #tpu.memory_space<hbm>> -> memref<80x128xi32, #tpu.memory_space<hbm>>
      tpu.wait_dma2 semaphore(%run_scoped3A_18 : memref<!tpu.dma_semaphore, #tpu.memory_space<semaphore_mem>>) src(%dma_wait3A_32 : memref<80x128xi32, #tpu.memory_space<hbm>>) dst(%arg6 : memref<80x128xi32, #tpu.memory_space<vmem>>)
      tpu.yield
    }) : () -> ()
    %broadcast_in_dim3A_8 = arith.constant 1.000000e+00 : f32
    %broadcast_in_dim3A_9 = vector.broadcast %broadcast_in_dim3A_8 : f32 to vector<16xf32>
    %scan3A_10 = arith.constant 0 : i32
    %scan3A_11 = arith.constant 0 : i32
    %scan3A_12 = arith.constant 80 : i32
    %scan3A_13 = arith.addi %scan3A_11, %scan3A_12 : i32
    %scan3A_14 = arith.constant 1 : i32
    %scan3A_15 = scf.for %scan3A_18 = %scan3A_11 to %scan3A_13 step %scan3A_14 iter_args(%scan3A_19 = %scan3A_10) -> (i32)  : i32 {
      %scan3A_20 = arith.constant 0 : i32
      %scan3A_21 = arith.constant 0 : i32
      %scan3A_22 = arith.constant 8 : i32
      %scan3A_23 = arith.addi %scan3A_21, %scan3A_22 : i32
      %scan3A_24 = arith.constant 1 : i32
      %scan3A_25 = scf.for %scan3A_28 = %scan3A_21 to %scan3A_23 step %scan3A_24 iter_args(%scan3A_29 = %scan3A_20) -> (i32)  : i32 {
        %mul3A_30 = arith.constant 16 : i32
        %mul3A_31 = arith.muli %scan3A_28, %mul3A_30 : i32
        %get3A = arith.index_cast %scan3A_18 : i32 to index
        %get3A_32 = arith.index_cast %mul3A_31 : i32 to index
        %get3A_33 = tpu.vector_load %arg5[%get3A, %get3A_32] {strides = array<i32>} : memref<80x128xi32, #tpu.memory_space<vmem>>, vector<16xi32>,
        tpu.vector_store_idx %arg7[%get3A_33], %broadcast_in_dim3A_9 {add = true} : memref<10240xf32, #tpu.memory_space<vmem>>[vector<16xi32>], vector<16xf32>,
        %mul3A_34 = arith.constant 16 : i32
        %mul3A_35 = arith.muli %scan3A_28, %mul3A_34 : i32
        %get3A_36 = arith.index_cast %scan3A_18 : i32 to index
        %get3A_37 = arith.index_cast %mul3A_35 : i32 to index
        %get3A_38 = tpu.vector_load %arg6[%get3A_36, %get3A_37] {strides = array<i32>} : memref<80x128xi32, #tpu.memory_space<vmem>>, vector<16xi32>,
        tpu.vector_store_idx %arg8[%get3A_38], %broadcast_in_dim3A_9 {add = true} : memref<10240xf32, #tpu.memory_space<vmem>>[vector<16xi32>], vector<16xf32>,
        %scan3A_39 = arith.constant 0 : i32
        scf.yield %scan3A_39 : i32
      }
      %scan3A_26 = arith.constant 8 : i32
      %scan3A_27 = arith.constant 0 : i32
      scf.yield %scan3A_27 : i32
    }
    %scan3A_16 = arith.constant 80 : i32
    %run_scoped3A = arith.constant 0 : i32
    "tpu.region"() ({
      %run_scoped3A_18 = tpu.sem_alloc : memref<!tpu.dma_semaphore, #tpu.memory_space<semaphore_mem>>
      %dma_start3A = arith.constant 0 : i32
      %dma_start3A_19 = tpu.memref_slice %arg4[%add3A, %run_scoped3A, %dma_start3A] : memref<32x2x10240xf32, #tpu.memory_space<hbm>> -> memref<1x1x10240xf32, #tpu.memory_space<hbm>>
      %dma_start3A_20 = tpu.memref_squeeze %dma_start3A_19 : memref<1x1x10240xf32, #tpu.memory_space<hbm>> -> memref<10240xf32, #tpu.memory_space<hbm>>
      %dma_start3A_21 = arith.constant 0 : i32
      %dma_start3A_22 = tpu.memref_slice %arg4[%add3A, %run_scoped3A, %dma_start3A_21] : memref<32x2x10240xf32, #tpu.memory_space<hbm>> -> memref<1x1x10240xf32, #tpu.memory_space<hbm>>
      %dma_start3A_23 = tpu.memref_squeeze %dma_start3A_22 : memref<1x1x10240xf32, #tpu.memory_space<hbm>> -> memref<10240xf32, #tpu.memory_space<hbm>>
      tpu.enqueue_dma source(%arg7 : memref<10240xf32, #tpu.memory_space<vmem>>) target(%dma_start3A_23 : memref<10240xf32, #tpu.memory_space<hbm>>) target_semaphore(%run_scoped3A_18 : memref<!tpu.dma_semaphore, #tpu.memory_space<semaphore_mem>>)
      %dma_wait3A = arith.constant 0 : i32
      %dma_wait3A_24 = tpu.memref_slice %arg4[%add3A, %run_scoped3A, %dma_wait3A] : memref<32x2x10240xf32, #tpu.memory_space<hbm>> -> memref<1x1x10240xf32, #tpu.memory_space<hbm>>
      %dma_wait3A_25 = tpu.memref_squeeze %dma_wait3A_24 : memref<1x1x10240xf32, #tpu.memory_space<hbm>> -> memref<10240xf32, #tpu.memory_space<hbm>>
      %dma_wait3A_26 = arith.constant 0 : i32
      %dma_wait3A_27 = tpu.memref_slice %arg4[%add3A, %run_scoped3A, %dma_wait3A_26] : memref<32x2x10240xf32, #tpu.memory_space<hbm>> -> memref<1x1x10240xf32, #tpu.memory_space<hbm>>
      %dma_wait3A_28 = tpu.memref_squeeze %dma_wait3A_27 : memref<1x1x10240xf32, #tpu.memory_space<hbm>> -> memref<10240xf32, #tpu.memory_space<hbm>>
      tpu.wait_dma2 semaphore(%run_scoped3A_18 : memref<!tpu.dma_semaphore, #tpu.memory_space<semaphore_mem>>) src(%arg7 : memref<10240xf32, #tpu.memory_space<vmem>>) dst(%dma_wait3A_28 : memref<10240xf32, #tpu.memory_space<hbm>>)
      tpu.yield
    }) : () -> ()
    %run_scoped3A_17 = arith.constant 1 : i32
    "tpu.region"() ({
      %run_scoped3A_18 = tpu.sem_alloc : memref<!tpu.dma_semaphore, #tpu.memory_space<semaphore_mem>>
      %dma_start3A = arith.constant 0 : i32
      %dma_start3A_19 = tpu.memref_slice %arg4[%add3A, %run_scoped3A_17, %dma_start3A] : memref<32x2x10240xf32, #tpu.memory_space<hbm>> -> memref<1x1x10240xf32, #tpu.memory_space<hbm>>
      %dma_start3A_20 = tpu.memref_squeeze %dma_start3A_19 : memref<1x1x10240xf32, #tpu.memory_space<hbm>> -> memref<10240xf32, #tpu.memory_space<hbm>>
      %dma_start3A_21 = arith.constant 0 : i32
      %dma_start3A_22 = tpu.memref_slice %arg4[%add3A, %run_scoped3A_17, %dma_start3A_21] : memref<32x2x10240xf32, #tpu.memory_space<hbm>> -> memref<1x1x10240xf32, #tpu.memory_space<hbm>>
      %dma_start3A_23 = tpu.memref_squeeze %dma_start3A_22 : memref<1x1x10240xf32, #tpu.memory_space<hbm>> -> memref<10240xf32, #tpu.memory_space<hbm>>
      tpu.enqueue_dma source(%arg8 : memref<10240xf32, #tpu.memory_space<vmem>>) target(%dma_start3A_23 : memref<10240xf32, #tpu.memory_space<hbm>>) target_semaphore(%run_scoped3A_18 : memref<!tpu.dma_semaphore, #tpu.memory_space<semaphore_mem>>)
      %dma_wait3A = arith.constant 0 : i32
      %dma_wait3A_24 = tpu.memref_slice %arg4[%add3A, %run_scoped3A_17, %dma_wait3A] : memref<32x2x10240xf32, #tpu.memory_space<hbm>> -> memref<1x1x10240xf32, #tpu.memory_space<hbm>>
      %dma_wait3A_25 = tpu.memref_squeeze %dma_wait3A_24 : memref<1x1x10240xf32, #tpu.memory_space<hbm>> -> memref<10240xf32, #tpu.memory_space<hbm>>
      %dma_wait3A_26 = arith.constant 0 : i32
      %dma_wait3A_27 = tpu.memref_slice %arg4[%add3A, %run_scoped3A_17, %dma_wait3A_26] : memref<32x2x10240xf32, #tpu.memory_space<hbm>> -> memref<1x1x10240xf32, #tpu.memory_space<hbm>>
      %dma_wait3A_28 = tpu.memref_squeeze %dma_wait3A_27 : memref<1x1x10240xf32, #tpu.memory_space<hbm>> -> memref<10240xf32, #tpu.memory_space<hbm>>
      tpu.wait_dma2 semaphore(%run_scoped3A_18 : memref<!tpu.dma_semaphore, #tpu.memory_space<semaphore_mem>>) src(%arg8 : memref<10240xf32, #tpu.memory_space<vmem>>) dst(%dma_wait3A_28 : memref<10240xf32, #tpu.memory_space<hbm>>)
      tpu.yield
    }) : () -> ()
    return
  }
}

#map = affine_map<(d0, d1) -> (0, 0, 0)>
module attributes {stable_mosaic.version = 14 : i64} {
  func.func @_edge_kernel(%arg0: i32, %arg1: i32, %arg2: memref<2x10240x128xf32, #tpu.memory_space<hbm>>, %arg3: memref<32x80x128xi32, #tpu.memory_space<hbm>>, %arg4: memref<32x80x128xi32, #tpu.memory_space<hbm>>, %arg5: memref<2x10240x128xf32, #tpu.memory_space<hbm>>, %arg6: memref<80x128xi32, #tpu.memory_space<vmem>>, %arg7: memref<40x128xi32, #tpu.memory_space<vmem>>, %arg8: memref<128x128xf32, #tpu.memory_space<vmem>>, %arg9: memref<128x128xf32, #tpu.memory_space<vmem>>, %arg10: memref<10240x128xf32, #tpu.memory_space<vmem_shared>>, %arg11: memref<!tpu.dma_semaphore, #tpu.memory_space<semaphore_mem>>, %arg12: memref<!tpu.dma_semaphore, #tpu.memory_space<semaphore_mem>>) attributes {dimension_semantics = [#tpu.dimension_semantics<core_parallel>, #tpu.dimension_semantics<subcore_parallel>], iteration_bounds = array<i64: 2, 16>, scalar_prefetch = 0 : i64, scratch_operands = 7 : i64, tpu.core_type = #tpu.core_type<sc_vector_subcore>, window_params = [{transform_indices = #map}, {transform_indices = #map}, {transform_indices = #map}, {transform_indices = #map}]} {
    %mul3A = arith.constant 2 : i32
    %mul3A_0 = arith.muli %arg1, %mul3A : i32
    %add3A = arith.addi %mul3A_0, %arg0 : i32
    %mul3A_1 = arith.constant 640 : i32
    %mul3A_2 = arith.muli %arg1, %mul3A_1 : i32
    %add3A_3 = arith.constant 0 : i32
    %add3A_4 = arith.addi %mul3A_2, %add3A_3 : i32
    "tpu.region"() ({
      %run_scoped3A = tpu.sem_alloc : memref<!tpu.dma_semaphore, #tpu.memory_space<semaphore_mem>>
      %dma_start3A_26 = arith.constant 0 : i32
      %dma_start3A_27 = tpu.memref_slice %arg10[%add3A_4, %dma_start3A_26] : memref<10240x128xf32, #tpu.memory_space<vmem_shared>> -> memref<240x128xf32, #tpu.memory_space<vmem_shared>>
      %dma_start3A_28 = arith.constant 0 : i32
      %dma_start3A_29 = arith.constant 0 : i32
      %dma_start3A_30 = tpu.memref_slice %arg2[%arg0, %dma_start3A_28, %dma_start3A_29] : memref<2x10240x128xf32, #tpu.memory_space<hbm>> -> memref<1x10240x128xf32, #tpu.memory_space<hbm>>
      %dma_start3A_31 = tpu.memref_squeeze %dma_start3A_30 : memref<1x10240x128xf32, #tpu.memory_space<hbm>> -> memref<10240x128xf32, #tpu.memory_space<hbm>>
      %dma_start3A_32 = arith.constant 10000 : i32
      %dma_start3A_33 = arith.constant 0 : i32
      %dma_start3A_34 = tpu.memref_slice %dma_start3A_31[%dma_start3A_32, %dma_start3A_33] : memref<10240x128xf32, #tpu.memory_space<hbm>> -> memref<240x128xf32, #tpu.memory_space<hbm>>
      tpu.enqueue_dma source(%dma_start3A_34 : memref<240x128xf32, #tpu.memory_space<hbm>>) target(%dma_start3A_27 : memref<240x128xf32, #tpu.memory_space<vmem_shared>>) target_semaphore(%run_scoped3A : memref<!tpu.dma_semaphore, #tpu.memory_space<semaphore_mem>>)
      %dma_wait3A = arith.constant 0 : i32
      %dma_wait3A_35 = tpu.memref_slice %arg10[%add3A_4, %dma_wait3A] : memref<10240x128xf32, #tpu.memory_space<vmem_shared>> -> memref<240x128xf32, #tpu.memory_space<vmem_shared>>
      %dma_wait3A_36 = arith.constant 0 : i32
      %dma_wait3A_37 = arith.constant 0 : i32
      %dma_wait3A_38 = tpu.memref_slice %arg2[%arg0, %dma_wait3A_36, %dma_wait3A_37] : memref<2x10240x128xf32, #tpu.memory_space<hbm>> -> memref<1x10240x128xf32, #tpu.memory_space<hbm>>
      %dma_wait3A_39 = tpu.memref_squeeze %dma_wait3A_38 : memref<1x10240x128xf32, #tpu.memory_space<hbm>> -> memref<10240x128xf32, #tpu.memory_space<hbm>>
      %dma_wait3A_40 = arith.constant 10000 : i32
      %dma_wait3A_41 = arith.constant 0 : i32
      %dma_wait3A_42 = tpu.memref_slice %dma_wait3A_39[%dma_wait3A_40, %dma_wait3A_41] : memref<10240x128xf32, #tpu.memory_space<hbm>> -> memref<240x128xf32, #tpu.memory_space<hbm>>
      tpu.wait_dma2 semaphore(%run_scoped3A : memref<!tpu.dma_semaphore, #tpu.memory_space<semaphore_mem>>) src(%dma_wait3A_42 : memref<240x128xf32, #tpu.memory_space<hbm>>) dst(%dma_wait3A_35 : memref<240x128xf32, #tpu.memory_space<vmem_shared>>)
      tpu.yield
    }) : () -> ()
    %add3A_5 = arith.constant 240 : i32
    %add3A_6 = arith.addi %mul3A_2, %add3A_5 : i32
    "tpu.region"() ({
      %run_scoped3A = tpu.sem_alloc : memref<!tpu.dma_semaphore, #tpu.memory_space<semaphore_mem>>
      %dma_start3A_26 = arith.constant 0 : i32
      %dma_start3A_27 = tpu.memref_slice %arg10[%add3A_6, %dma_start3A_26] : memref<10240x128xf32, #tpu.memory_space<vmem_shared>> -> memref<240x128xf32, #tpu.memory_space<vmem_shared>>
      %dma_start3A_28 = arith.constant 0 : i32
      %dma_start3A_29 = arith.constant 0 : i32
      %dma_start3A_30 = tpu.memref_slice %arg2[%arg0, %dma_start3A_28, %dma_start3A_29] : memref<2x10240x128xf32, #tpu.memory_space<hbm>> -> memref<1x10240x128xf32, #tpu.memory_space<hbm>>
      %dma_start3A_31 = tpu.memref_squeeze %dma_start3A_30 : memref<1x10240x128xf32, #tpu.memory_space<hbm>> -> memref<10240x128xf32, #tpu.memory_space<hbm>>
      %dma_start3A_32 = arith.constant 10000 : i32
      %dma_start3A_33 = arith.constant 0 : i32
      %dma_start3A_34 = tpu.memref_slice %dma_start3A_31[%dma_start3A_32, %dma_start3A_33] : memref<10240x128xf32, #tpu.memory_space<hbm>> -> memref<240x128xf32, #tpu.memory_space<hbm>>
      tpu.enqueue_dma source(%dma_start3A_34 : memref<240x128xf32, #tpu.memory_space<hbm>>) target(%dma_start3A_27 : memref<240x128xf32, #tpu.memory_space<vmem_shared>>) target_semaphore(%run_scoped3A : memref<!tpu.dma_semaphore, #tpu.memory_space<semaphore_mem>>)
      %dma_wait3A = arith.constant 0 : i32
      %dma_wait3A_35 = tpu.memref_slice %arg10[%add3A_6, %dma_wait3A] : memref<10240x128xf32, #tpu.memory_space<vmem_shared>> -> memref<240x128xf32, #tpu.memory_space<vmem_shared>>
      %dma_wait3A_36 = arith.constant 0 : i32
      %dma_wait3A_37 = arith.constant 0 : i32
      %dma_wait3A_38 = tpu.memref_slice %arg2[%arg0, %dma_wait3A_36, %dma_wait3A_37] : memref<2x10240x128xf32, #tpu.memory_space<hbm>> -> memref<1x10240x128xf32, #tpu.memory_space<hbm>>
      %dma_wait3A_39 = tpu.memref_squeeze %dma_wait3A_38 : memref<1x10240x128xf32, #tpu.memory_space<hbm>> -> memref<10240x128xf32, #tpu.memory_space<hbm>>
      %dma_wait3A_40 = arith.constant 10000 : i32
      %dma_wait3A_41 = arith.constant 0 : i32
      %dma_wait3A_42 = tpu.memref_slice %dma_wait3A_39[%dma_wait3A_40, %dma_wait3A_41] : memref<10240x128xf32, #tpu.memory_space<hbm>> -> memref<240x128xf32, #tpu.memory_space<hbm>>
      tpu.wait_dma2 semaphore(%run_scoped3A : memref<!tpu.dma_semaphore, #tpu.memory_space<semaphore_mem>>) src(%dma_wait3A_42 : memref<240x128xf32, #tpu.memory_space<hbm>>) dst(%dma_wait3A_35 : memref<240x128xf32, #tpu.memory_space<vmem_shared>>)
      tpu.yield
    }) : () -> ()
    %add3A_7 = arith.constant 480 : i32
    %add3A_8 = arith.addi %mul3A_2, %add3A_7 : i32
    "tpu.region"() ({
      %run_scoped3A = tpu.sem_alloc : memref<!tpu.dma_semaphore, #tpu.memory_space<semaphore_mem>>
      %dma_start3A_26 = arith.constant 0 : i32
      %dma_start3A_27 = tpu.memref_slice %arg10[%add3A_8, %dma_start3A_26] : memref<10240x128xf32, #tpu.memory_space<vmem_shared>> -> memref<160x128xf32, #tpu.memory_space<vmem_shared>>
      %dma_start3A_28 = arith.constant 0 : i32
      %dma_start3A_29 = arith.constant 0 : i32
      %dma_start3A_30 = tpu.memref_slice %arg2[%arg0, %dma_start3A_28, %dma_start3A_29] : memref<2x10240x128xf32, #tpu.memory_space<hbm>> -> memref<1x10240x128xf32, #tpu.memory_space<hbm>>
      %dma_start3A_31 = tpu.memref_squeeze %dma_start3A_30 : memref<1x10240x128xf32, #tpu.memory_space<hbm>> -> memref<10240x128xf32, #tpu.memory_space<hbm>>
      %dma_start3A_32 = arith.constant 10000 : i32
      %dma_start3A_33 = arith.constant 0 : i32
      %dma_start3A_34 = tpu.memref_slice %dma_start3A_31[%dma_start3A_32, %dma_start3A_33] : memref<10240x128xf32, #tpu.memory_space<hbm>> -> memref<160x128xf32, #tpu.memory_space<hbm>>
      tpu.enqueue_dma source(%dma_start3A_34 : memref<160x128xf32, #tpu.memory_space<hbm>>) target(%dma_start3A_27 : memref<160x128xf32, #tpu.memory_space<vmem_shared>>) target_semaphore(%run_scoped3A : memref<!tpu.dma_semaphore, #tpu.memory_space<semaphore_mem>>)
      %dma_wait3A = arith.constant 0 : i32
      %dma_wait3A_35 = tpu.memref_slice %arg10[%add3A_8, %dma_wait3A] : memref<10240x128xf32, #tpu.memory_space<vmem_shared>> -> memref<160x128xf32, #tpu.memory_space<vmem_shared>>
      %dma_wait3A_36 = arith.constant 0 : i32
      %dma_wait3A_37 = arith.constant 0 : i32
      %dma_wait3A_38 = tpu.memref_slice %arg2[%arg0, %dma_wait3A_36, %dma_wait3A_37] : memref<2x10240x128xf32, #tpu.memory_space<hbm>> -> memref<1x10240x128xf32, #tpu.memory_space<hbm>>
      %dma_wait3A_39 = tpu.memref_squeeze %dma_wait3A_38 : memref<1x10240x128xf32, #tpu.memory_space<hbm>> -> memref<10240x128xf32, #tpu.memory_space<hbm>>
      %dma_wait3A_40 = arith.constant 10000 : i32
      %dma_wait3A_41 = arith.constant 0 : i32
      %dma_wait3A_42 = tpu.memref_slice %dma_wait3A_39[%dma_wait3A_40, %dma_wait3A_41] : memref<10240x128xf32, #tpu.memory_space<hbm>> -> memref<160x128xf32, #tpu.memory_space<hbm>>
      tpu.wait_dma2 semaphore(%run_scoped3A : memref<!tpu.dma_semaphore, #tpu.memory_space<semaphore_mem>>) src(%dma_wait3A_42 : memref<160x128xf32, #tpu.memory_space<hbm>>) dst(%dma_wait3A_35 : memref<160x128xf32, #tpu.memory_space<vmem_shared>>)
      tpu.yield
    }) : () -> ()
    %barrier3A = arith.constant 0 : index
    tpu.barrier barrier_id(%barrier3A)
    "tpu.region"() ({
      %run_scoped3A = tpu.sem_alloc : memref<!tpu.dma_semaphore, #tpu.memory_space<semaphore_mem>>
      %dma_start3A_26 = arith.constant 0 : i32
      %dma_start3A_27 = arith.constant 0 : i32
      %dma_start3A_28 = tpu.memref_slice %arg3[%add3A, %dma_start3A_26, %dma_start3A_27] : memref<32x80x128xi32, #tpu.memory_space<hbm>> -> memref<1x80x128xi32, #tpu.memory_space<hbm>>
      %dma_start3A_29 = tpu.memref_squeeze %dma_start3A_28 : memref<1x80x128xi32, #tpu.memory_space<hbm>> -> memref<80x128xi32, #tpu.memory_space<hbm>>
      %dma_start3A_30 = arith.constant 0 : i32
      %dma_start3A_31 = arith.constant 0 : i32
      %dma_start3A_32 = tpu.memref_slice %arg3[%add3A, %dma_start3A_30, %dma_start3A_31] : memref<32x80x128xi32, #tpu.memory_space<hbm>> -> memref<1x80x128xi32, #tpu.memory_space<hbm>>
      %dma_start3A_33 = tpu.memref_squeeze %dma_start3A_32 : memref<1x80x128xi32, #tpu.memory_space<hbm>> -> memref<80x128xi32, #tpu.memory_space<hbm>>
      tpu.enqueue_dma source(%dma_start3A_33 : memref<80x128xi32, #tpu.memory_space<hbm>>) target(%arg6 : memref<80x128xi32, #tpu.memory_space<vmem>>) target_semaphore(%run_scoped3A : memref<!tpu.dma_semaphore, #tpu.memory_space<semaphore_mem>>)
      %dma_wait3A = arith.constant 0 : i32
      %dma_wait3A_34 = arith.constant 0 : i32
      %dma_wait3A_35 = tpu.memref_slice %arg3[%add3A, %dma_wait3A, %dma_wait3A_34] : memref<32x80x128xi32, #tpu.memory_space<hbm>> -> memref<1x80x128xi32, #tpu.memory_space<hbm>>
      %dma_wait3A_36 = tpu.memref_squeeze %dma_wait3A_35 : memref<1x80x128xi32, #tpu.memory_space<hbm>> -> memref<80x128xi32, #tpu.memory_space<hbm>>
      %dma_wait3A_37 = arith.constant 0 : i32
      %dma_wait3A_38 = arith.constant 0 : i32
      %dma_wait3A_39 = tpu.memref_slice %arg3[%add3A, %dma_wait3A_37, %dma_wait3A_38] : memref<32x80x128xi32, #tpu.memory_space<hbm>> -> memref<1x80x128xi32, #tpu.memory_space<hbm>>
      %dma_wait3A_40 = tpu.memref_squeeze %dma_wait3A_39 : memref<1x80x128xi32, #tpu.memory_space<hbm>> -> memref<80x128xi32, #tpu.memory_space<hbm>>
      tpu.wait_dma2 semaphore(%run_scoped3A : memref<!tpu.dma_semaphore, #tpu.memory_space<semaphore_mem>>) src(%dma_wait3A_40 : memref<80x128xi32, #tpu.memory_space<hbm>>) dst(%arg6 : memref<80x128xi32, #tpu.memory_space<vmem>>)
      tpu.yield
    }) : () -> ()
    "tpu.region"() ({
      %run_scoped3A = tpu.sem_alloc : memref<!tpu.dma_semaphore, #tpu.memory_space<semaphore_mem>>
      %dma_start3A_26 = arith.constant 0 : i32
      %dma_start3A_27 = arith.constant 0 : i32
      %dma_start3A_28 = tpu.memref_slice %arg4[%add3A, %dma_start3A_26, %dma_start3A_27] : memref<32x80x128xi32, #tpu.memory_space<hbm>> -> memref<1x40x128xi32, #tpu.memory_space<hbm>>
      %dma_start3A_29 = tpu.memref_squeeze %dma_start3A_28 : memref<1x40x128xi32, #tpu.memory_space<hbm>> -> memref<40x128xi32, #tpu.memory_space<hbm>>
      %dma_start3A_30 = arith.constant 0 : i32
      %dma_start3A_31 = arith.constant 0 : i32
      %dma_start3A_32 = tpu.memref_slice %arg4[%add3A, %dma_start3A_30, %dma_start3A_31] : memref<32x80x128xi32, #tpu.memory_space<hbm>> -> memref<1x40x128xi32, #tpu.memory_space<hbm>>
      %dma_start3A_33 = tpu.memref_squeeze %dma_start3A_32 : memref<1x40x128xi32, #tpu.memory_space<hbm>> -> memref<40x128xi32, #tpu.memory_space<hbm>>
      tpu.enqueue_dma source(%dma_start3A_33 : memref<40x128xi32, #tpu.memory_space<hbm>>) target(%arg7 : memref<40x128xi32, #tpu.memory_space<vmem>>) target_semaphore(%run_scoped3A : memref<!tpu.dma_semaphore, #tpu.memory_space<semaphore_mem>>)
      %dma_wait3A = arith.constant 0 : i32
      %dma_wait3A_34 = arith.constant 0 : i32
      %dma_wait3A_35 = tpu.memref_slice %arg4[%add3A, %dma_wait3A, %dma_wait3A_34] : memref<32x80x128xi32, #tpu.memory_space<hbm>> -> memref<1x40x128xi32, #tpu.memory_space<hbm>>
      %dma_wait3A_36 = tpu.memref_squeeze %dma_wait3A_35 : memref<1x40x128xi32, #tpu.memory_space<hbm>> -> memref<40x128xi32, #tpu.memory_space<hbm>>
      %dma_wait3A_37 = arith.constant 0 : i32
      %dma_wait3A_38 = arith.constant 0 : i32
      %dma_wait3A_39 = tpu.memref_slice %arg4[%add3A, %dma_wait3A_37, %dma_wait3A_38] : memref<32x80x128xi32, #tpu.memory_space<hbm>> -> memref<1x40x128xi32, #tpu.memory_space<hbm>>
      %dma_wait3A_40 = tpu.memref_squeeze %dma_wait3A_39 : memref<1x40x128xi32, #tpu.memory_space<hbm>> -> memref<40x128xi32, #tpu.memory_space<hbm>>
      tpu.wait_dma2 semaphore(%run_scoped3A : memref<!tpu.dma_semaphore, #tpu.memory_space<semaphore_mem>>) src(%dma_wait3A_40 : memref<40x128xi32, #tpu.memory_space<hbm>>) dst(%arg7 : memref<40x128xi32, #tpu.memory_space<vmem>>)
      tpu.yield
    }) : () -> ()
    %dma_start3A = arith.constant 0 : i32
    %dma_start3A_9 = arith.constant 0 : i32
    %dma_start3A_10 = tpu.memref_slice %arg6[%dma_start3A, %dma_start3A_9] : memref<80x128xi32, #tpu.memory_space<vmem>> -> memref<1x128xi32, #tpu.memory_space<vmem>>
    %dma_start3A_11 = tpu.memref_squeeze %dma_start3A_10 : memref<1x128xi32, #tpu.memory_space<vmem>> -> memref<128xi32, #tpu.memory_space<vmem>>
    %dma_start3A_12 = arith.constant 0 : i32
    %dma_start3A_13 = arith.constant 0 : i32
    %dma_start3A_14 = tpu.memref_slice %arg2[%arg0, %dma_start3A_12, %dma_start3A_13] : memref<2x10240x128xf32, #tpu.memory_space<hbm>> -> memref<1x10240x128xf32, #tpu.memory_space<hbm>>
    %dma_start3A_15 = tpu.memref_squeeze %dma_start3A_14 : memref<1x10240x128xf32, #tpu.memory_space<hbm>> -> memref<10240x128xf32, #tpu.memory_space<hbm>>
    %dma_start3A_16 = arith.constant 0 : i32
    %dma_start3A_17 = arith.constant 0 : i32
    %dma_start3A_18 = tpu.memref_slice %dma_start3A_15[%dma_start3A_16, %dma_start3A_17] : memref<10240x128xf32, #tpu.memory_space<hbm>> -> memref<10240x128xf32, #tpu.memory_space<hbm>>
    tpu.enqueue_indirect_dma source(%dma_start3A_18 : memref<10240x128xf32, #tpu.memory_space<hbm>>) target(%arg8 : memref<128x128xf32, #tpu.memory_space<vmem>>) offsets(%dma_start3A_11 : memref<128xi32, #tpu.memory_space<vmem>>) semaphore(%arg11 : memref<!tpu.dma_semaphore, #tpu.memory_space<semaphore_mem>>)
    %scan3A = arith.constant 0 : i32
    %scan3A_19 = arith.constant 0 : i32
    %scan3A_20 = arith.constant 40 : i32
    %scan3A_21 = arith.addi %scan3A_19, %scan3A_20 : i32
    %scan3A_22 = arith.constant 1 : i32
    %scan3A_23 = scf.for %scan3A_26 = %scan3A_19 to %scan3A_21 step %scan3A_22 iter_args(%scan3A_27 = %scan3A) -> (i32)  : i32 {
      %mul3A_28 = arith.constant 2 : i32
      %mul3A_29 = arith.muli %mul3A_28, %scan3A_26 : i32
      %jit3A = arith.constant 40 : i32
      %div3A = arith.divsi %mul3A_29, %jit3A : i32
      %sign3A = arith.constant 0 : i32
      %sign3A_30 = arith.cmpi sgt, %mul3A_29, %sign3A : i32
      %sign3A_31 = arith.extui %sign3A_30 : i1 to i32
      %sign3A_32 = arith.constant 0 : i32
      %sign3A_33 = arith.cmpi slt, %mul3A_29, %sign3A_32 : i32
      %sign3A_34 = arith.extui %sign3A_33 : i1 to i32
      %sign3A_35 = arith.subi %sign3A_31, %sign3A_34 : i32
      %sign3A_36 = arith.constant 0 : i32
      %sign3A_37 = arith.cmpi sgt, %jit3A, %sign3A_36 : i32
      %sign3A_38 = arith.extui %sign3A_37 : i1 to i32
      %sign3A_39 = arith.constant 0 : i32
      %sign3A_40 = arith.cmpi slt, %jit3A, %sign3A_39 : i32
      %sign3A_41 = arith.extui %sign3A_40 : i1 to i32
      %sign3A_42 = arith.subi %sign3A_38, %sign3A_41 : i32
      %ne3A = arith.cmpi ne, %sign3A_35, %sign3A_42 : i32
      %rem3A = arith.remsi %mul3A_29, %jit3A : i32
      %ne3A_43 = arith.constant 0 : i32
      %ne3A_44 = arith.cmpi ne, %rem3A, %ne3A_43 : i32
      %and3A = arith.andi %ne3A, %ne3A_44 : i1
      %sub3A = arith.constant 1 : i32
      %sub3A_45 = arith.subi %div3A, %sub3A : i32
      %select_n3A = arith.select %and3A, %sub3A_45, %div3A : i32
      %mul3A_46 = arith.constant 40 : i32
      %mul3A_47 = arith.muli %mul3A_46, %select_n3A : i32
      %sub3A_48 = arith.subi %mul3A_29, %mul3A_47 : i32
      %eq3A = arith.constant 40 : i32
      %eq3A_49 = arith.cmpi eq, %mul3A_29, %eq3A : i32
      %convert_element_type3A = arith.extui %eq3A_49 : i1 to i32
      %cond3A = arith.constant 0 : i32
      %cond3A_50 = arith.cmpi ne, %convert_element_type3A, %cond3A : i32
      scf.if %cond3A_50 {
        "tpu.region"() ({
          %run_scoped3A = tpu.sem_alloc : memref<!tpu.dma_semaphore, #tpu.memory_space<semaphore_mem>>
          %dma_start3A_93 = arith.constant 40 : i32
          %dma_start3A_94 = arith.constant 0 : i32
          %dma_start3A_95 = tpu.memref_slice %arg4[%add3A, %dma_start3A_93, %dma_start3A_94] : memref<32x80x128xi32, #tpu.memory_space<hbm>> -> memref<1x40x128xi32, #tpu.memory_space<hbm>>
          %dma_start3A_96 = tpu.memref_squeeze %dma_start3A_95 : memref<1x40x128xi32, #tpu.memory_space<hbm>> -> memref<40x128xi32, #tpu.memory_space<hbm>>
          %dma_start3A_97 = arith.constant 40 : i32
          %dma_start3A_98 = arith.constant 0 : i32
          %dma_start3A_99 = tpu.memref_slice %arg4[%add3A, %dma_start3A_97, %dma_start3A_98] : memref<32x80x128xi32, #tpu.memory_space<hbm>> -> memref<1x40x128xi32, #tpu.memory_space<hbm>>
          %dma_start3A_100 = tpu.memref_squeeze %dma_start3A_99 : memref<1x40x128xi32, #tpu.memory_space<hbm>> -> memref<40x128xi32, #tpu.memory_space<hbm>>
          tpu.enqueue_dma source(%dma_start3A_100 : memref<40x128xi32, #tpu.memory_space<hbm>>) target(%arg7 : memref<40x128xi32, #tpu.memory_space<vmem>>) target_semaphore(%run_scoped3A : memref<!tpu.dma_semaphore, #tpu.memory_space<semaphore_mem>>)
          %dma_wait3A_101 = arith.constant 40 : i32
          %dma_wait3A_102 = arith.constant 0 : i32
          %dma_wait3A_103 = tpu.memref_slice %arg4[%add3A, %dma_wait3A_101, %dma_wait3A_102] : memref<32x80x128xi32, #tpu.memory_space<hbm>> -> memref<1x40x128xi32, #tpu.memory_space<hbm>>
          %dma_wait3A_104 = tpu.memref_squeeze %dma_wait3A_103 : memref<1x40x128xi32, #tpu.memory_space<hbm>> -> memref<40x128xi32, #tpu.memory_space<hbm>>
          %dma_wait3A_105 = arith.constant 40 : i32
          %dma_wait3A_106 = arith.constant 0 : i32
          %dma_wait3A_107 = tpu.memref_slice %arg4[%add3A, %dma_wait3A_105, %dma_wait3A_106] : memref<32x80x128xi32, #tpu.memory_space<hbm>> -> memref<1x40x128xi32, #tpu.memory_space<hbm>>
          %dma_wait3A_108 = tpu.memref_squeeze %dma_wait3A_107 : memref<1x40x128xi32, #tpu.memory_space<hbm>> -> memref<40x128xi32, #tpu.memory_space<hbm>>
          tpu.wait_dma2 semaphore(%run_scoped3A : memref<!tpu.dma_semaphore, #tpu.memory_space<semaphore_mem>>) src(%dma_wait3A_108 : memref<40x128xi32, #tpu.memory_space<hbm>>) dst(%arg7 : memref<40x128xi32, #tpu.memory_space<vmem>>)
          tpu.yield
        }) : () -> ()
      } else {
      }
      %add3A_51 = arith.constant 1 : i32
      %add3A_52 = arith.addi %mul3A_29, %add3A_51 : i32
      %dma_start3A_53 = arith.constant 0 : i32
      %dma_start3A_54 = tpu.memref_slice %arg6[%add3A_52, %dma_start3A_53] : memref<80x128xi32, #tpu.memory_space<vmem>> -> memref<1x128xi32, #tpu.memory_space<vmem>>
      %dma_start3A_55 = tpu.memref_squeeze %dma_start3A_54 : memref<1x128xi32, #tpu.memory_space<vmem>> -> memref<128xi32, #tpu.memory_space<vmem>>
      %dma_start3A_56 = arith.constant 0 : i32
      %dma_start3A_57 = arith.constant 0 : i32
      %dma_start3A_58 = tpu.memref_slice %arg2[%arg0, %dma_start3A_56, %dma_start3A_57] : memref<2x10240x128xf32, #tpu.memory_space<hbm>> -> memref<1x10240x128xf32, #tpu.memory_space<hbm>>
      %dma_start3A_59 = tpu.memref_squeeze %dma_start3A_58 : memref<1x10240x128xf32, #tpu.memory_space<hbm>> -> memref<10240x128xf32, #tpu.memory_space<hbm>>
      %dma_start3A_60 = arith.constant 0 : i32
      %dma_start3A_61 = arith.constant 0 : i32
      %dma_start3A_62 = tpu.memref_slice %dma_start3A_59[%dma_start3A_60, %dma_start3A_61] : memref<10240x128xf32, #tpu.memory_space<hbm>> -> memref<10240x128xf32, #tpu.memory_space<hbm>>
      tpu.enqueue_indirect_dma source(%dma_start3A_62 : memref<10240x128xf32, #tpu.memory_space<hbm>>) target(%arg9 : memref<128x128xf32, #tpu.memory_space<vmem>>) offsets(%dma_start3A_55 : memref<128xi32, #tpu.memory_space<vmem>>) semaphore(%arg12 : memref<!tpu.dma_semaphore, #tpu.memory_space<semaphore_mem>>)
      %dma_wait3A = arith.constant 0 : i32
      %dma_wait3A_63 = tpu.memref_slice %arg6[%mul3A_29, %dma_wait3A] : memref<80x128xi32, #tpu.memory_space<vmem>> -> memref<1x128xi32, #tpu.memory_space<vmem>>
      %dma_wait3A_64 = tpu.memref_squeeze %dma_wait3A_63 : memref<1x128xi32, #tpu.memory_space<vmem>> -> memref<128xi32, #tpu.memory_space<vmem>>
      %dma_wait3A_65 = arith.constant 0 : i32
      %dma_wait3A_66 = arith.constant 0 : i32
      %dma_wait3A_67 = tpu.memref_slice %arg2[%arg0, %dma_wait3A_65, %dma_wait3A_66] : memref<2x10240x128xf32, #tpu.memory_space<hbm>> -> memref<1x10240x128xf32, #tpu.memory_space<hbm>>
      %dma_wait3A_68 = tpu.memref_squeeze %dma_wait3A_67 : memref<1x10240x128xf32, #tpu.memory_space<hbm>> -> memref<10240x128xf32, #tpu.memory_space<hbm>>
      %dma_wait3A_69 = arith.constant 0 : i32
      %dma_wait3A_70 = arith.constant 0 : i32
      %dma_wait3A_71 = tpu.memref_slice %dma_wait3A_68[%dma_wait3A_69, %dma_wait3A_70] : memref<10240x128xf32, #tpu.memory_space<hbm>> -> memref<10240x128xf32, #tpu.memory_space<hbm>>
      tpu.wait_indirect_dma semaphore(%arg11 : memref<!tpu.dma_semaphore, #tpu.memory_space<semaphore_mem>>) src(%dma_wait3A_71 : memref<10240x128xf32, #tpu.memory_space<hbm>>) dst(%arg8 : memref<128x128xf32, #tpu.memory_space<vmem>>)
      "tpu.region"() ({
        %run_scoped3A = tpu.sem_alloc : memref<!tpu.dma_semaphore, #tpu.memory_space<semaphore_mem>>
        %dma_start3A_93 = arith.constant 0 : i32
        %dma_start3A_94 = tpu.memref_slice %arg7[%sub3A_48, %dma_start3A_93] : memref<40x128xi32, #tpu.memory_space<vmem>> -> memref<1x128xi32, #tpu.memory_space<vmem>>
        %dma_start3A_95 = tpu.memref_squeeze %dma_start3A_94 : memref<1x128xi32, #tpu.memory_space<vmem>> -> memref<128xi32, #tpu.memory_space<vmem>>
        %dma_start3A_96 = arith.constant 0 : i32
        %dma_start3A_97 = arith.constant 0 : i32
        %dma_start3A_98 = tpu.memref_slice %arg10[%dma_start3A_96, %dma_start3A_97] : memref<10240x128xf32, #tpu.memory_space<vmem_shared>> -> memref<10240x128xf32, #tpu.memory_space<vmem_shared>>
        tpu.enqueue_indirect_dma source(%arg8 : memref<128x128xf32, #tpu.memory_space<vmem>>) target(%dma_start3A_98 : memref<10240x128xf32, #tpu.memory_space<vmem_shared>>) offsets(%dma_start3A_95 : memref<128xi32, #tpu.memory_space<vmem>>) semaphore(%run_scoped3A : memref<!tpu.dma_semaphore, #tpu.memory_space<semaphore_mem>>) {add = true}
        %dma_wait3A_99 = arith.constant 0 : i32
        %dma_wait3A_100 = tpu.memref_slice %arg7[%sub3A_48, %dma_wait3A_99] : memref<40x128xi32, #tpu.memory_space<vmem>> -> memref<1x128xi32, #tpu.memory_space<vmem>>
        %dma_wait3A_101 = tpu.memref_squeeze %dma_wait3A_100 : memref<1x128xi32, #tpu.memory_space<vmem>> -> memref<128xi32, #tpu.memory_space<vmem>>
        %dma_wait3A_102 = arith.constant 0 : i32
        %dma_wait3A_103 = arith.constant 0 : i32
        %dma_wait3A_104 = tpu.memref_slice %arg10[%dma_wait3A_102, %dma_wait3A_103] : memref<10240x128xf32, #tpu.memory_space<vmem_shared>> -> memref<10240x128xf32, #tpu.memory_space<vmem_shared>>
        tpu.wait_indirect_dma semaphore(%run_scoped3A : memref<!tpu.dma_semaphore, #tpu.memory_space<semaphore_mem>>) src(%arg8 : memref<128x128xf32, #tpu.memory_space<vmem>>) dst(%dma_wait3A_104 : memref<10240x128xf32, #tpu.memory_space<vmem_shared>>)
        tpu.yield
      }) : () -> ()
      %add3A_72 = arith.constant 2 : i32
      %add3A_73 = arith.addi %mul3A_29, %add3A_72 : i32
      %lt3A = arith.constant 80 : i32
      %lt3A_74 = arith.cmpi slt, %add3A_73, %lt3A : i32
      %convert_element_type3A_75 = arith.extui %lt3A_74 : i1 to i32
      %cond3A_76 = arith.constant 0 : i32
      %cond3A_77 = arith.cmpi ne, %convert_element_type3A_75, %cond3A_76 : i32
      scf.if %cond3A_77 {
        %add3A_93 = arith.constant 2 : i32
        %add3A_94 = arith.addi %mul3A_29, %add3A_93 : i32
        %dma_start3A_95 = arith.constant 0 : i32
        %dma_start3A_96 = tpu.memref_slice %arg6[%add3A_94, %dma_start3A_95] : memref<80x128xi32, #tpu.memory_space<vmem>> -> memref<1x128xi32, #tpu.memory_space<vmem>>
        %dma_start3A_97 = tpu.memref_squeeze %dma_start3A_96 : memref<1x128xi32, #tpu.memory_space<vmem>> -> memref<128xi32, #tpu.memory_space<vmem>>
        %dma_start3A_98 = arith.constant 0 : i32
        %dma_start3A_99 = arith.constant 0 : i32
        %dma_start3A_100 = tpu.memref_slice %arg2[%arg0, %dma_start3A_98, %dma_start3A_99] : memref<2x10240x128xf32, #tpu.memory_space<hbm>> -> memref<1x10240x128xf32, #tpu.memory_space<hbm>>
        %dma_start3A_101 = tpu.memref_squeeze %dma_start3A_100 : memref<1x10240x128xf32, #tpu.memory_space<hbm>> -> memref<10240x128xf32, #tpu.memory_space<hbm>>
        %dma_start3A_102 = arith.constant 0 : i32
        %dma_start3A_103 = arith.constant 0 : i32
        %dma_start3A_104 = tpu.memref_slice %dma_start3A_101[%dma_start3A_102, %dma_start3A_103] : memref<10240x128xf32, #tpu.memory_space<hbm>> -> memref<10240x128xf32, #tpu.memory_space<hbm>>
        tpu.enqueue_indirect_dma source(%dma_start3A_104 : memref<10240x128xf32, #tpu.memory_space<hbm>>) target(%arg8 : memref<128x128xf32, #tpu.memory_space<vmem>>) offsets(%dma_start3A_97 : memref<128xi32, #tpu.memory_space<vmem>>) semaphore(%arg11 : memref<!tpu.dma_semaphore, #tpu.memory_space<semaphore_mem>>)
      } else {
      }
      %add3A_78 = arith.constant 1 : i32
      %add3A_79 = arith.addi %mul3A_29, %add3A_78 : i32
      %dma_wait3A_80 = arith.constant 0 : i32
      %dma_wait3A_81 = tpu.memref_slice %arg6[%add3A_79, %dma_wait3A_80] : memref<80x128xi32, #tpu.memory_space<vmem>> -> memref<1x128xi32, #tpu.memory_space<vmem>>
      %dma_wait3A_82 = tpu.memref_squeeze %dma_wait3A_81 : memref<1x128xi32, #tpu.memory_space<vmem>> -> memref<128xi32, #tpu.memory_space<vmem>>
      %dma_wait3A_83 = arith.constant 0 : i32
      %dma_wait3A_84 = arith.constant 0 : i32
      %dma_wait3A_85 = tpu.memref_slice %arg2[%arg0, %dma_wait3A_83, %dma_wait3A_84] : memref<2x10240x128xf32, #tpu.memory_space<hbm>> -> memref<1x10240x128xf32, #tpu.memory_space<hbm>>
      %dma_wait3A_86 = tpu.memref_squeeze %dma_wait3A_85 : memref<1x10240x128xf32, #tpu.memory_space<hbm>> -> memref<10240x128xf32, #tpu.memory_space<hbm>>
      %dma_wait3A_87 = arith.constant 0 : i32
      %dma_wait3A_88 = arith.constant 0 : i32
      %dma_wait3A_89 = tpu.memref_slice %dma_wait3A_86[%dma_wait3A_87, %dma_wait3A_88] : memref<10240x128xf32, #tpu.memory_space<hbm>> -> memref<10240x128xf32, #tpu.memory_space<hbm>>
      tpu.wait_indirect_dma semaphore(%arg12 : memref<!tpu.dma_semaphore, #tpu.memory_space<semaphore_mem>>) src(%dma_wait3A_89 : memref<10240x128xf32, #tpu.memory_space<hbm>>) dst(%arg9 : memref<128x128xf32, #tpu.memory_space<vmem>>)
      %add3A_90 = arith.constant 1 : i32
      %add3A_91 = arith.addi %sub3A_48, %add3A_90 : i32
      "tpu.region"() ({
        %run_scoped3A = tpu.sem_alloc : memref<!tpu.dma_semaphore, #tpu.memory_space<semaphore_mem>>
        %dma_start3A_93 = arith.constant 0 : i32
        %dma_start3A_94 = tpu.memref_slice %arg7[%add3A_91, %dma_start3A_93] : memref<40x128xi32, #tpu.memory_space<vmem>> -> memref<1x128xi32, #tpu.memory_space<vmem>>
        %dma_start3A_95 = tpu.memref_squeeze %dma_start3A_94 : memref<1x128xi32, #tpu.memory_space<vmem>> -> memref<128xi32, #tpu.memory_space<vmem>>
        %dma_start3A_96 = arith.constant 0 : i32
        %dma_start3A_97 = arith.constant 0 : i32
        %dma_start3A_98 = tpu.memref_slice %arg10[%dma_start3A_96, %dma_start3A_97] : memref<10240x128xf32, #tpu.memory_space<vmem_shared>> -> memref<10240x128xf32, #tpu.memory_space<vmem_shared>>
        tpu.enqueue_indirect_dma source(%arg9 : memref<128x128xf32, #tpu.memory_space<vmem>>) target(%dma_start3A_98 : memref<10240x128xf32, #tpu.memory_space<vmem_shared>>) offsets(%dma_start3A_95 : memref<128xi32, #tpu.memory_space<vmem>>) semaphore(%run_scoped3A : memref<!tpu.dma_semaphore, #tpu.memory_space<semaphore_mem>>) {add = true}
        %dma_wait3A_99 = arith.constant 0 : i32
        %dma_wait3A_100 = tpu.memref_slice %arg7[%add3A_91, %dma_wait3A_99] : memref<40x128xi32, #tpu.memory_space<vmem>> -> memref<1x128xi32, #tpu.memory_space<vmem>>
        %dma_wait3A_101 = tpu.memref_squeeze %dma_wait3A_100 : memref<1x128xi32, #tpu.memory_space<vmem>> -> memref<128xi32, #tpu.memory_space<vmem>>
        %dma_wait3A_102 = arith.constant 0 : i32
        %dma_wait3A_103 = arith.constant 0 : i32
        %dma_wait3A_104 = tpu.memref_slice %arg10[%dma_wait3A_102, %dma_wait3A_103] : memref<10240x128xf32, #tpu.memory_space<vmem_shared>> -> memref<10240x128xf32, #tpu.memory_space<vmem_shared>>
        tpu.wait_indirect_dma semaphore(%run_scoped3A : memref<!tpu.dma_semaphore, #tpu.memory_space<semaphore_mem>>) src(%arg9 : memref<128x128xf32, #tpu.memory_space<vmem>>) dst(%dma_wait3A_104 : memref<10240x128xf32, #tpu.memory_space<vmem_shared>>)
        tpu.yield
      }) : () -> ()
      %scan3A_92 = arith.constant 0 : i32
      scf.yield %scan3A_92 : i32
    }
    %scan3A_24 = arith.constant 40 : i32
    %barrier3A_25 = arith.constant 0 : index
    tpu.barrier barrier_id(%barrier3A_25)
    "tpu.region"() ({
      %run_scoped3A = tpu.sem_alloc : memref<!tpu.dma_semaphore, #tpu.memory_space<semaphore_mem>>
      %dma_start3A_26 = arith.constant 0 : i32
      %dma_start3A_27 = tpu.memref_slice %arg5[%arg0, %mul3A_2, %dma_start3A_26] : memref<2x10240x128xf32, #tpu.memory_space<hbm>> -> memref<1x640x128xf32, #tpu.memory_space<hbm>>
      %dma_start3A_28 = tpu.memref_squeeze %dma_start3A_27 : memref<1x640x128xf32, #tpu.memory_space<hbm>> -> memref<640x128xf32, #tpu.memory_space<hbm>>
      %dma_start3A_29 = arith.constant 0 : i32
      %dma_start3A_30 = tpu.memref_slice %arg10[%mul3A_2, %dma_start3A_29] : memref<10240x128xf32, #tpu.memory_space<vmem_shared>> -> memref<640x128xf32, #tpu.memory_space<vmem_shared>>
      tpu.enqueue_dma source(%dma_start3A_30 : memref<640x128xf32, #tpu.memory_space<vmem_shared>>) target(%dma_start3A_28 : memref<640x128xf32, #tpu.memory_space<hbm>>) target_semaphore(%run_scoped3A : memref<!tpu.dma_semaphore, #tpu.memory_space<semaphore_mem>>)
      %dma_wait3A = arith.constant 0 : i32
      %dma_wait3A_31 = tpu.memref_slice %arg5[%arg0, %mul3A_2, %dma_wait3A] : memref<2x10240x128xf32, #tpu.memory_space<hbm>> -> memref<1x640x128xf32, #tpu.memory_space<hbm>>
      %dma_wait3A_32 = tpu.memref_squeeze %dma_wait3A_31 : memref<1x640x128xf32, #tpu.memory_space<hbm>> -> memref<640x128xf32, #tpu.memory_space<hbm>>
      %dma_wait3A_33 = arith.constant 0 : i32
      %dma_wait3A_34 = tpu.memref_slice %arg10[%mul3A_2, %dma_wait3A_33] : memref<10240x128xf32, #tpu.memory_space<vmem_shared>> -> memref<640x128xf32, #tpu.memory_space<vmem_shared>>
      tpu.wait_dma2 semaphore(%run_scoped3A : memref<!tpu.dma_semaphore, #tpu.memory_space<semaphore_mem>>) src(%dma_wait3A_34 : memref<640x128xf32, #tpu.memory_space<vmem_shared>>) dst(%dma_wait3A_32 : memref<640x128xf32, #tpu.memory_space<hbm>>)
      tpu.yield
    }) : () -> ()
    return
  }
}

module attributes {stable_mosaic.version = 14 : i64} {
  func.func @_norm_body(%arg0: memref<32x2x10240xf32, #tpu.memory_space<vmem>>, %arg1: memref<10000x128xf32, #tpu.memory_space<vmem>>, %arg2: memref<2x10240x128xf32, #tpu.memory_space<vmem>>, %arg3: memref<2x10240xf32, #tpu.memory_space<vmem>>) attributes {dimension_semantics = [], scalar_prefetch = 0 : i64, scratch_operands = 0 : i64, tpu.core_type = #tpu.core_type<tc>} {
    %get3A = arith.constant 0 : index
    %get3A_0 = arith.constant 0 : index
    %get3A_1 = arith.constant 0 : index
    %get3A_2 = vector.load %arg0[%get3A, %get3A_0, %get3A_1] : memref<32x2x10240xf32, #tpu.memory_space<vmem>>, vector<32x2x10240xf32>
    %reduce_sum3A = arith.constant dense<0.000000e+00> : vector<2x10240xf32>
    %reduce_sum3A_3 = vector.multi_reduction <add>, %get3A_2, %reduce_sum3A [0] : vector<32x2x10240xf32> to vector<2x10240xf32>
    %max3A = arith.constant 1.000000e+00 : f32
    %max3A_4 = vector.broadcast %max3A : f32 to vector<2x10240xf32>
    %max3A_5 = arith.maximumf %reduce_sum3A_3, %max3A_4 : vector<2x10240xf32>
    %rsqrt3A = math.rsqrt %max3A_5 : vector<2x10240xf32>
    %swap3A = arith.constant 0 : index
    %swap3A_6 = arith.constant 0 : index
    %swap3A_7 = vector.load %arg3[%swap3A, %swap3A_6] : memref<2x10240xf32, #tpu.memory_space<vmem>>, vector<2x10240xf32>
    tpu.vector_store %arg3[%swap3A, %swap3A_6], %rsqrt3A {strides = array<i32>} : memref<2x10240xf32, #tpu.memory_space<vmem>>, vector<2x10240xf32>,
    %get3A_8 = arith.constant 0 : index
    %get3A_9 = arith.constant 0 : index
    %get3A_10 = vector.load %arg1[%get3A_8, %get3A_9] : memref<10000x128xf32, #tpu.memory_space<vmem>>, vector<10000x128xf32>
    %slice3A = vector.extract_strided_slice %rsqrt3A {offsets = [0, 0], sizes = [1, 10240], strides = [1, 1]} : vector<2x10240xf32> to vector<1x10240xf32>
    %squeeze3A = vector.shape_cast %slice3A : vector<1x10240xf32> to vector<10240xf32>
    %slice3A_11 = vector.extract_strided_slice %squeeze3A {offsets = [0], sizes = [10000], strides = [1]} : vector<10240xf32> to vector<10000xf32>
    %broadcast_in_dim3A = vector.shape_cast %slice3A_11 : vector<10000xf32> to vector<10000x1xf32>
    %mul3A = vector.broadcast %broadcast_in_dim3A : vector<10000x1xf32> to vector<10000x128xf32>
    %mul3A_12 = arith.mulf %get3A_10, %mul3A : vector<10000x128xf32>
    %broadcast_in_dim3A_13 = arith.constant 0.000000e+00 : f32
    %broadcast_in_dim3A_14 = vector.broadcast %broadcast_in_dim3A_13 : f32 to vector<240x128xf32>
    %swap3A_15 = arith.constant 0 : index
    %swap3A_16 = arith.constant 0 : index
    %swap3A_17 = arith.constant 0 : index
    %swap3A_18 = vector.load %arg2[%swap3A_15, %swap3A_16, %swap3A_17] : memref<2x10240x128xf32, #tpu.memory_space<vmem>>, vector<1x10000x128xf32>
    %swap3A_19 = vector.shape_cast %swap3A_18 : vector<1x10000x128xf32> to vector<10000x128xf32>
    %swap3A_20 = vector.shape_cast %mul3A_12 : vector<10000x128xf32> to vector<1x10000x128xf32>
    tpu.vector_store %arg2[%swap3A_15, %swap3A_16, %swap3A_17], %swap3A_20 {strides = array<i32>} : memref<2x10240x128xf32, #tpu.memory_space<vmem>>, vector<1x10000x128xf32>,
    %swap3A_21 = arith.constant 0 : index
    %swap3A_22 = arith.constant 10000 : index
    %swap3A_23 = arith.constant 0 : index
    %swap3A_24 = vector.load %arg2[%swap3A_21, %swap3A_22, %swap3A_23] : memref<2x10240x128xf32, #tpu.memory_space<vmem>>, vector<1x240x128xf32>
    %swap3A_25 = vector.shape_cast %swap3A_24 : vector<1x240x128xf32> to vector<240x128xf32>
    %swap3A_26 = vector.shape_cast %broadcast_in_dim3A_14 : vector<240x128xf32> to vector<1x240x128xf32>
    tpu.vector_store %arg2[%swap3A_21, %swap3A_22, %swap3A_23], %swap3A_26 {strides = array<i32>} : memref<2x10240x128xf32, #tpu.memory_space<vmem>>, vector<1x240x128xf32>,
    %swap3A_27 = arith.constant 1 : index
    %swap3A_28 = arith.constant 0 : index
    %swap3A_29 = arith.constant 0 : index
    %swap3A_30 = vector.load %arg2[%swap3A_27, %swap3A_28, %swap3A_29] : memref<2x10240x128xf32, #tpu.memory_space<vmem>>, vector<1x10000x128xf32>
    %swap3A_31 = vector.shape_cast %swap3A_30 : vector<1x10000x128xf32> to vector<10000x128xf32>
    %swap3A_32 = vector.shape_cast %mul3A_12 : vector<10000x128xf32> to vector<1x10000x128xf32>
    tpu.vector_store %arg2[%swap3A_27, %swap3A_28, %swap3A_29], %swap3A_32 {strides = array<i32>} : memref<2x10240x128xf32, #tpu.memory_space<vmem>>, vector<1x10000x128xf32>,
    %swap3A_33 = arith.constant 1 : index
    %swap3A_34 = arith.constant 10000 : index
    %swap3A_35 = arith.constant 0 : index
    %swap3A_36 = vector.load %arg2[%swap3A_33, %swap3A_34, %swap3A_35] : memref<2x10240x128xf32, #tpu.memory_space<vmem>>, vector<1x240x128xf32>
    %swap3A_37 = vector.shape_cast %swap3A_36 : vector<1x240x128xf32> to vector<240x128xf32>
    %swap3A_38 = vector.shape_cast %broadcast_in_dim3A_14 : vector<240x128xf32> to vector<1x240x128xf32>
    tpu.vector_store %arg2[%swap3A_33, %swap3A_34, %swap3A_35], %swap3A_38 {strides = array<i32>} : memref<2x10240x128xf32, #tpu.memory_space<vmem>>, vector<1x240x128xf32>,
    return
  }
}

module attributes {stable_mosaic.version = 14 : i64} {
  func.func @_combine_body(%arg0: memref<2x10240x128xf32, #tpu.memory_space<vmem>>, %arg1: memref<10240x1xf32, #tpu.memory_space<vmem>>, %arg2: memref<10240x1xf32, #tpu.memory_space<vmem>>, %arg3: memref<128x128xf32, #tpu.memory_space<vmem>>, %arg4: memref<1x128xf32, #tpu.memory_space<vmem>>, %arg5: memref<2x10240x128xf32, #tpu.memory_space<vmem>>) attributes {dimension_semantics = [], scalar_prefetch = 0 : i64, scratch_operands = 0 : i64, tpu.core_type = #tpu.core_type<tc>} {
    %get3A = arith.constant 0 : index
    %get3A_0 = arith.constant 0 : index
    %get3A_1 = arith.constant 0 : index
    %get3A_2 = vector.load %arg0[%get3A, %get3A_0, %get3A_1] : memref<2x10240x128xf32, #tpu.memory_space<vmem>>, vector<1x10240x128xf32>
    %get3A_3 = vector.shape_cast %get3A_2 : vector<1x10240x128xf32> to vector<10240x128xf32>
    %get3A_4 = arith.constant 1 : index
    %get3A_5 = arith.constant 0 : index
    %get3A_6 = arith.constant 0 : index
    %get3A_7 = vector.load %arg0[%get3A_4, %get3A_5, %get3A_6] : memref<2x10240x128xf32, #tpu.memory_space<vmem>>, vector<1x10240x128xf32>
    %get3A_8 = vector.shape_cast %get3A_7 : vector<1x10240x128xf32> to vector<10240x128xf32>
    %add3A = arith.addf %get3A_3, %get3A_8 : vector<10240x128xf32>
    %get3A_9 = arith.constant 0 : index
    %get3A_10 = arith.constant 0 : index
    %get3A_11 = vector.load %arg2[%get3A_9, %get3A_10] : memref<10240x1xf32, #tpu.memory_space<vmem>>, vector<10240x1xf32>
    %mul3A = vector.broadcast %get3A_11 : vector<10240x1xf32> to vector<10240x128xf32>
    %mul3A_12 = arith.mulf %add3A, %mul3A : vector<10240x128xf32>
    %get3A_13 = arith.constant 0 : index
    %get3A_14 = arith.constant 0 : index
    %get3A_15 = vector.load %arg3[%get3A_13, %get3A_14] : memref<128x128xf32, #tpu.memory_space<vmem>>, vector<128x128xf32>
    %dot_general3A = arith.constant dense<0.000000e+00> : vector<10240x128xf32>
    %dot_general3A_16 = tpu.matmul %mul3A_12, %get3A_15, %dot_general3A {dimension_numbers = #tpu.dot_dimension_numbers<[1], [0], [0], [1], [0, 0, 1, 1], [], []>, transpose_lhs_hint = false} : vector<10240x128xf32>, vector<128x128xf32>, vector<10240x128xf32> -> vector<10240x128xf32>
    %get3A_17 = arith.constant 0 : index
    %get3A_18 = arith.constant 0 : index
    %get3A_19 = vector.load %arg4[%get3A_17, %get3A_18] : memref<1x128xf32, #tpu.memory_space<vmem>>, vector<1x128xf32>
    %add3A_20 = vector.broadcast %get3A_19 : vector<1x128xf32> to vector<10240x128xf32>
    %add3A_21 = arith.addf %dot_general3A_16, %add3A_20 : vector<10240x128xf32>
    %max3A = arith.constant 0.000000e+00 : f32
    %max3A_22 = vector.broadcast %max3A : f32 to vector<10240x128xf32>
    %max3A_23 = arith.maximumf %add3A_21, %max3A_22 : vector<10240x128xf32>
    %get3A_24 = arith.constant 0 : index
    %get3A_25 = arith.constant 0 : index
    %get3A_26 = vector.load %arg1[%get3A_24, %get3A_25] : memref<10240x1xf32, #tpu.memory_space<vmem>>, vector<10240x1xf32>
    %mul3A_27 = vector.broadcast %get3A_26 : vector<10240x1xf32> to vector<10240x128xf32>
    %mul3A_28 = arith.mulf %max3A_23, %mul3A_27 : vector<10240x128xf32>
    %iota3A = tpu.iota {dimensions = array<i32: 0>} : vector<10240x1xi32>
    %lt3A = arith.constant 10000 : i32
    %lt3A_29 = vector.broadcast %lt3A : i32 to vector<10240x1xi32>
    %lt3A_30 = arith.cmpi slt, %iota3A, %lt3A_29 : vector<10240x1xi32>
    %jit3A = arith.constant 0.000000e+00 : f32
    %broadcast_in_dim3A = vector.shape_cast %lt3A_30 : vector<10240x1xi1> to vector<10240x1xi1>
    %broadcast_in_dim3A_31 = vector.broadcast %broadcast_in_dim3A : vector<10240x1xi1> to vector<10240x128xi1>
    %broadcast_in_dim3A_32 = vector.broadcast %jit3A : f32 to vector<10240x128xf32>
    %select_n3A = arith.select %broadcast_in_dim3A_31, %mul3A_28, %broadcast_in_dim3A_32 : vector<10240x128xi1>, vector<10240x128xf32>
    %swap3A = arith.constant 0 : index
    %swap3A_33 = arith.constant 0 : index
    %swap3A_34 = arith.constant 0 : index
    %swap3A_35 = vector.load %arg5[%swap3A, %swap3A_33, %swap3A_34] : memref<2x10240x128xf32, #tpu.memory_space<vmem>>, vector<1x10240x128xf32>
    %swap3A_36 = vector.shape_cast %swap3A_35 : vector<1x10240x128xf32> to vector<10240x128xf32>
    %swap3A_37 = vector.shape_cast %select_n3A : vector<10240x128xf32> to vector<1x10240x128xf32>
    tpu.vector_store %arg5[%swap3A, %swap3A_33, %swap3A_34], %swap3A_37 {strides = array<i32>} : memref<2x10240x128xf32, #tpu.memory_space<vmem>>, vector<1x10240x128xf32>,
    %swap3A_38 = arith.constant 1 : index
    %swap3A_39 = arith.constant 0 : index
    %swap3A_40 = arith.constant 0 : index
    %swap3A_41 = vector.load %arg5[%swap3A_38, %swap3A_39, %swap3A_40] : memref<2x10240x128xf32, #tpu.memory_space<vmem>>, vector<1x10240x128xf32>
    %swap3A_42 = vector.shape_cast %swap3A_41 : vector<1x10240x128xf32> to vector<10240x128xf32>
    %swap3A_43 = vector.shape_cast %select_n3A : vector<10240x128xf32> to vector<1x10240x128xf32>
    tpu.vector_store %arg5[%swap3A_38, %swap3A_39, %swap3A_40], %swap3A_43 {strides = array<i32>} : memref<2x10240x128xf32, #tpu.memory_space<vmem>>, vector<1x10240x128xf32>,
    return
  }
}

module attributes {stable_mosaic.version = 14 : i64} {
  func.func @_final_body(%arg0: i32, %arg1: memref<2x1000x128xf32, #tpu.memory_space<vmem>>, %arg2: memref<1000x1xf32, #tpu.memory_space<vmem>>, %arg3: memref<128x128xf32, #tpu.memory_space<vmem>>, %arg4: memref<1x128xf32, #tpu.memory_space<vmem>>, %arg5: memref<128x1000xf32, #tpu.memory_space<vmem>>, %arg6: memref<1x1000xf32, #tpu.memory_space<vmem>>, %arg7: memref<1000x1000xf32, #tpu.memory_space<vmem>>) attributes {dimension_semantics = [#tpu.dimension_semantics<arbitrary>], iteration_bounds = array<i64: 10>, scalar_prefetch = 0 : i64, scratch_operands = 0 : i64, tpu.core_type = #tpu.core_type<tc>, window_params = [{transform_indices = @transform_0, window_bounds = array<i64: 2, 1000, 128>}, {transform_indices = @transform_1, window_bounds = array<i64: 1000, 1>}, {pipeline_mode = #tpu.pipeline_mode<synchronous>, transform_indices = @transform_2, window_bounds = array<i64: 128, 128>}, {pipeline_mode = #tpu.pipeline_mode<synchronous>, transform_indices = @transform_3, window_bounds = array<i64: 1, 128>}, {pipeline_mode = #tpu.pipeline_mode<synchronous>, transform_indices = @transform_4, window_bounds = array<i64: 128, 1000>}, {pipeline_mode = #tpu.pipeline_mode<synchronous>, transform_indices = @transform_5, window_bounds = array<i64: 1, 1000>}, {transform_indices = @transform_6, window_bounds = array<i64: 1000, 1000>}]} {
    %get3A = arith.constant 0 : index
    %get3A_0 = arith.constant 0 : index
    %get3A_1 = arith.constant 0 : index
    %get3A_2 = vector.load %arg1[%get3A, %get3A_0, %get3A_1] : memref<2x1000x128xf32, #tpu.memory_space<vmem>>, vector<1x1000x128xf32>
    %get3A_3 = vector.shape_cast %get3A_2 : vector<1x1000x128xf32> to vector<1000x128xf32>
    %get3A_4 = arith.constant 1 : index
    %get3A_5 = arith.constant 0 : index
    %get3A_6 = arith.constant 0 : index
    %get3A_7 = vector.load %arg1[%get3A_4, %get3A_5, %get3A_6] : memref<2x1000x128xf32, #tpu.memory_space<vmem>>, vector<1x1000x128xf32>
    %get3A_8 = vector.shape_cast %get3A_7 : vector<1x1000x128xf32> to vector<1000x128xf32>
    %add3A = arith.addf %get3A_3, %get3A_8 : vector<1000x128xf32>
    %get3A_9 = arith.constant 0 : index
    %get3A_10 = arith.constant 0 : index
    %get3A_11 = vector.load %arg2[%get3A_9, %get3A_10] : memref<1000x1xf32, #tpu.memory_space<vmem>>, vector<1000x1xf32>
    %mul3A = vector.broadcast %get3A_11 : vector<1000x1xf32> to vector<1000x128xf32>
    %mul3A_12 = arith.mulf %add3A, %mul3A : vector<1000x128xf32>
    %get3A_13 = arith.constant 0 : index
    %get3A_14 = arith.constant 0 : index
    %get3A_15 = vector.load %arg3[%get3A_13, %get3A_14] : memref<128x128xf32, #tpu.memory_space<vmem>>, vector<128x128xf32>
    %dot_general3A = arith.constant dense<0.000000e+00> : vector<1000x128xf32>
    %dot_general3A_16 = tpu.matmul %mul3A_12, %get3A_15, %dot_general3A {dimension_numbers = #tpu.dot_dimension_numbers<[1], [0], [0], [1], [0, 0, 1, 1], [], []>, transpose_lhs_hint = false} : vector<1000x128xf32>, vector<128x128xf32>, vector<1000x128xf32> -> vector<1000x128xf32>
    %get3A_17 = arith.constant 0 : index
    %get3A_18 = arith.constant 0 : index
    %get3A_19 = vector.load %arg4[%get3A_17, %get3A_18] : memref<1x128xf32, #tpu.memory_space<vmem>>, vector<1x128xf32>
    %add3A_20 = vector.broadcast %get3A_19 : vector<1x128xf32> to vector<1000x128xf32>
    %add3A_21 = arith.addf %dot_general3A_16, %add3A_20 : vector<1000x128xf32>
    %max3A = arith.constant 0.000000e+00 : f32
    %max3A_22 = vector.broadcast %max3A : f32 to vector<1000x128xf32>
    %max3A_23 = arith.maximumf %add3A_21, %max3A_22 : vector<1000x128xf32>
    %get3A_24 = arith.constant 0 : index
    %get3A_25 = arith.constant 0 : index
    %get3A_26 = vector.load %arg5[%get3A_24, %get3A_25] : memref<128x1000xf32, #tpu.memory_space<vmem>>, vector<128x1000xf32>
    %dot_general3A_27 = arith.constant dense<0.000000e+00> : vector<1000x1000xf32>
    %dot_general3A_28 = tpu.matmul %max3A_23, %get3A_26, %dot_general3A_27 {dimension_numbers = #tpu.dot_dimension_numbers<[1], [0], [0], [1], [0, 0, 1, 1], [], []>, transpose_lhs_hint = false} : vector<1000x128xf32>, vector<128x1000xf32>, vector<1000x1000xf32> -> vector<1000x1000xf32>
    %get3A_29 = arith.constant 0 : index
    %get3A_30 = arith.constant 0 : index
    %get3A_31 = vector.load %arg6[%get3A_29, %get3A_30] : memref<1x1000xf32, #tpu.memory_space<vmem>>, vector<1x1000xf32>
    %add3A_32 = vector.broadcast %get3A_31 : vector<1x1000xf32> to vector<1000x1000xf32>
    %add3A_33 = arith.addf %dot_general3A_28, %add3A_32 : vector<1000x1000xf32>
    %swap3A = arith.constant 0 : index
    %swap3A_34 = arith.constant 0 : index
    %swap3A_35 = vector.load %arg7[%swap3A, %swap3A_34] : memref<1000x1000xf32, #tpu.memory_space<vmem>>, vector<1000x1000xf32>
    tpu.vector_store %arg7[%swap3A, %swap3A_34], %add3A_33 {strides = array<i32>} : memref<1000x1000xf32, #tpu.memory_space<vmem>>, vector<1000x1000xf32>,
    return
  }
  func.func @transform_0(%arg0: i32) -> (i32, i32, i32) {
    %c0_i32 = arith.constant 0 : i32
    %c0_i32_0 = arith.constant 0 : i32
    %c0_i32_1 = arith.constant 0 : i32
    return %c0_i32, %arg0, %c0_i32_0 : i32, i32, i32
  }
  func.func @transform_1(%arg0: i32) -> (i32, i32) {
    %c0_i32 = arith.constant 0 : i32
    %c0_i32_0 = arith.constant 0 : i32
    return %arg0, %c0_i32 : i32, i32
  }
  func.func @transform_2(%arg0: i32) -> (i32, i32) {
    %c0_i32 = arith.constant 0 : i32
    %c0_i32_0 = arith.constant 0 : i32
    %c0_i32_1 = arith.constant 0 : i32
    return %c0_i32, %c0_i32_0 : i32, i32
  }
  func.func @transform_3(%arg0: i32) -> (i32, i32) {
    %c0_i32 = arith.constant 0 : i32
    %c0_i32_0 = arith.constant 0 : i32
    %c0_i32_1 = arith.constant 0 : i32
    return %c0_i32, %c0_i32_0 : i32, i32
  }
  func.func @transform_4(%arg0: i32) -> (i32, i32) {
    %c0_i32 = arith.constant 0 : i32
    %c0_i32_0 = arith.constant 0 : i32
    %c0_i32_1 = arith.constant 0 : i32
    return %c0_i32, %c0_i32_0 : i32, i32
  }
  func.func @transform_5(%arg0: i32) -> (i32, i32) {
    %c0_i32 = arith.constant 0 : i32
    %c0_i32_0 = arith.constant 0 : i32
    %c0_i32_1 = arith.constant 0 : i32
    return %c0_i32, %c0_i32_0 : i32, i32
  }
  func.func @transform_6(%arg0: i32) -> (i32, i32) {
    %c0_i32 = arith.constant 0 : i32
    %c0_i32_0 = arith.constant 0 : i32
    return %arg0, %c0_i32 : i32, i32
  }
}

</mosaic_0001>

<sc_bundles>
// kernel: kernel.11.cloned.1.call-start
scs
__scs_entry_jumppad:
0x0: {  	(pc) =	sbr.rel $0x88, $3  }
0x1: {  	(tag) =	ssettag $0x0;
	lr =	simm.s32 $0x1  }
0x2: {  	[smem:$0x3F99] =	sst lr;
	_ =	strace $0xD0000000  }
0x3: {  	_ = 	snop  }
0x4: {  	_ = 	snop  }
0x5: {  	_ = 	snop  }
0x6: {  	_ = 	snop  }
0x7: {  	_ = 	snop  }
__scs_overlays_trampoline_lowered:
0x8: {  	[smem:$0x3FA8] =	sst s0  }
0x9: {  	[smem:$0x3FA9] =	sst s1  }
0xa: {  	[smem:$0x3FAA] =	sst s2  }
0xb: {  	[smem:$0x3FAB] =	sst s3  }
0xc: {  	[smem:$0x3FAC] =	sst s4  }
0xd: {  	[smem:$0x3FAD] =	sst s5  }
0xe: {  	[smem:$0x3FAE] =	sst s6  }
0xf: {  	[smem:$0x3FAF] =	sst s7  }
0x10: {  	[smem:$0x3FB0] =	sst s8  }
0x11: {  	[smem:$0x3FB1] =	sst s9;
	s0 =	simm.s32 @!p0 $0x0  }
0x12: {  	s1 =	sld [smem:$0x3F97];
	s0 =	simm.s32 @p0 $0x1  }
0x13: {  	[smem:$0x3FB2] =	sst s0;
	s0 =	simm.s32 @!p1 $0x0  }
0x14: {  	s2 =	sld [smem:$0x3F96];
	s0 =	simm.s32 @p1 $0x1  }
0x15: {  	[smem:$0x3FB3] =	sst s0;
	s0 =	simm.s32 @!p2 $0x0  }
0x16: {  	s3 =	sld [smem:$0x3FDB];
	s0 =	simm.s32 @p2 $0x1  }
0x17: {  	s4 =	simm.s32 $0x1BF5;
	[smem:$0x3FB5] =	sst s0  }
0x18: {  	s0 =	sld [smem:$0x3F98];
	_ =	swait.ge [sflag:s4], $0x0  }
0x19: {  	s7 =	sld [smem:$0x3F99]  }
0x1a: {  	s8 =	sadd.s32 $0xFFFFE003, lr  }
0x1b: {  	s9 =	sadd.s32 $0xFFFFFEF7, lr;
	s5 =	simm.s32 $0xFFFFFFFF;
	p2 =	slt.u32 s8, $0xFFFFF086  }
0x1c: {  	p1 =	slt.u32 s9, $0xF7A;
	s5 =	simm.s32 @!p2 $0x0  }
0x1d: {  	s5 =	simm.s32 @p1 $0x1;
	p0 =	seq.s32 s7, s2  }
0x1e: {  	s7 =	smul.u32 @!p0 $0xF7A, s2;
	p2 =	seq.s32 @!p0 s5, $0x0  }
0x1f: {  	s9 =	smul.u32 $0xF7A, s1;
	s8 =	simm.s32 @!p0 $0x1BF5;
	p2 =	por !p2, p0  }
0x20: {  	[sflag:s8] =	ssyncset.s32 @!p0 $0xFFFFF086;
	s6 =	sadd.s32 @!p0 s3, s7;
	s7 =	simm.s32 @!p0 $0x108  }
0x21: {  	s3 =	sadd.s32 s3, s9;
	s6 =	sadd.s32 @!p0 $0x88, s6;
	s7 =	simm.s32 @p2 $0x1082  }
0x22: {  	[simem:s7], [sflag:s8] =	dma.local @!p0 [hbm:s6], $0xF7A  }
0x23: {  	s9 =	sor.u32 $0xD0000000, s2;
	s6 =	simm.s32 $0x108;
	_ =	swait.ge @!p0 [sflag:s8], $0x0  }
0x24: {  	s3 =	sadd.s32 $0x88, s3;
	s6 =	simm.s32 @!p1 $0x1082;
	[sflag:s4] =	ssyncset.s32 $0xFFFFF086  }
0x25: {  	[simem:s6], [sflag:s4] =	dma.local [hbm:s3], $0xF7A  }
0x26: {  	[smem:$0x3F99] =	sst s1;
	(tag) =	ssettag s2;
	_ =	strace s9  }
0x27: {  	s1 =	sld [smem:$0x3FA9]  }
0x28: {  	s2 =	sld [smem:$0x3FAA]  }
0x29: {  	s4 =	sld [smem:$0x3FAC]  }
0x2a: {  	p0 =	seq.s32 s5, $0x0;
	s5 =	sld [smem:$0x3FAD]  }
0x2b: {  	s6 =	sld [smem:$0x3FAE]  }
0x2c: {  	s7 =	sld [smem:$0x3FAF]  }
0x2d: {  	s3 =	simm.s32 $0x108;
	s8 =	sld [smem:$0x3FB0]  }
0x2e: {  	s3 =	simm.s32 @!p0 $0x1082;
	s9 =	sld [smem:$0x3FB1]  }
0x2f: {  	lr =	sadd.s32 s0, s3;
	s0 =	sld [smem:$0x3FA8]  }
0x30: {  	s3 =	sld [smem:$0x3FAB]  }
0x31: {  	[smem:$0x3FB4] =	sst s10  }
0x32: {  	s10 =	sld [smem:$0x3FB2];
	_ =	sdelay $0x3  }
0x33: {  	p0 =	seq.s32 s10, $0x1;
	s10 =	sld [smem:$0x3FB4];
	_ =	sdelay $0x3  }
0x34: {  	[smem:$0x3FB4] =	sst s10  }
0x35: {  	s10 =	sld [smem:$0x3FB3];
	_ =	sdelay $0x3  }
0x36: {  	p1 =	seq.s32 s10, $0x1;
	s10 =	sld [smem:$0x3FB4];
	_ =	sdelay $0x3  }
0x37: {  	[smem:$0x3FB4] =	sst s10  }
0x38: {  	s10 =	sld [smem:$0x3FB5]  }
0x39: {  	_ = 	snop;
	(pc) =	sbr.ind lr, $3  }
0x3a: {  	_ = 	snop  }
0x3b: {  	_ = 	snop  }
0x3c: {  	p2 =	seq.s32 s10, $0x1;
	s10 =	sld [smem:$0x3FB4]  }
0x3d: {  	_ =	shalt  }
0x3e: {  	_ =	shalt  }
0x3f: {  	_ =	shalt  }
0x40: {  	_ =	shalt  }
0x41: {  	_ =	shalt  }
0x42: {  	_ =	shalt  }
0x43: {  	_ =	shalt  }
0x44: {  	_ =	shalt  }
0x45: {  	_ =	shalt  }
0x46: {  	_ =	shalt  }
0x47: {  	_ =	shalt  }
0x48: {  	_ =	shalt  }
0x49: {  	_ =	shalt  }
0x4a: {  	_ =	shalt  }
0x4b: {  	_ =	shalt  }
0x4c: {  	_ =	shalt  }
0x4d: {  	_ =	shalt  }
0x4e: {  	_ =	shalt  }
0x4f: {  	_ =	shalt  }
0x50: {  	_ =	shalt  }
0x51: {  	_ =	shalt  }
0x52: {  	_ =	shalt  }
0x53: {  	_ =	shalt  }
0x54: {  	_ =	shalt  }
0x55: {  	_ =	shalt  }
0x56: {  	_ =	shalt  }
0x57: {  	_ =	shalt  }
0x58: {  	_ =	shalt  }
0x59: {  	_ =	shalt  }
0x5a: {  	_ =	shalt  }
0x5b: {  	_ =	shalt  }
0x5c: {  	_ =	shalt  }
0x5d: {  	_ =	shalt  }
0x5e: {  	_ =	shalt  }
0x5f: {  	_ =	shalt  }
0x60: {  	_ =	shalt  }
0x61: {  	_ =	shalt  }
0x62: {  	_ =	shalt  }
0x63: {  	_ =	shalt  }
0x64: {  	_ =	shalt  }
0x65: {  	_ =	shalt  }
0x66: {  	_ =	shalt  }
0x67: {  	_ =	shalt  }
0x68: {  	_ =	shalt  }
0x69: {  	_ =	shalt  }
0x6a: {  	_ =	shalt  }
0x6b: {  	_ =	shalt  }
0x6c: {  	_ =	shalt  }
0x6d: {  	_ =	shalt  }
0x6e: {  	_ =	shalt  }
0x6f: {  	_ =	shalt  }
0x70: {  	_ =	shalt  }
0x71: {  	_ =	shalt  }
0x72: {  	_ =	shalt  }
0x73: {  	_ =	shalt  }
0x74: {  	_ =	shalt  }
0x75: {  	_ =	shalt  }
0x76: {  	_ =	shalt  }
0x77: {  	_ =	shalt  }
0x78: {  	_ =	shalt  }
0x79: {  	_ =	shalt  }
0x7a: {  	_ =	shalt  }
0x7b: {  	_ =	shalt  }
0x7c: {  	_ =	shalt  }
0x7d: {  	_ =	shalt  }
0x7e: {  	_ =	shalt  }
0x7f: {  	_ =	shalt  }
0x80: {  	_ =	shalt  }
0x81: {  	_ =	shalt  }
0x82: {  	_ =	shalt  }
0x83: {  	_ =	shalt  }
0x84: {  	_ =	shalt  }
0x85: {  	_ =	shalt  }
0x86: {  	_ =	shalt  }
0x87: {  	_ =	shalt  }
.Lfunc_end0:
.L_simem_size_0:
called_computation.1_lowered:
.L_overlay_start_0:
0x88: {  	s2 =	sld [smem:$0x3FD9]  }
0x89: {  	s3 =	sld [smem:$0x3FFE];
	_ =	sdelay $0x1  }
0x8a: {  	s1 =	srdreg.scid  }
0x8b: {  	s0 =	sand.u32 $0x1, s1  }
0x8c: {  	s17 =	sshll.u32 s0, $0xA;
	s2 =	sadd.s32 s3, s2  }
0x8d: {  	s2 =	sadd.s32 s2, s17  }
0x8e: {  	[smem:$0x3FC0] =	sst s2  }
0x8f: {  	_ = 	snop  }
0x90: {  	s2 =	sld [smem:$0x3FD0];
	(tm) =	ssettm $0x1  }
0x91: {  	s18 =	sld [smem:$0x3FFB];
	_ =	sdelay $0x3  }
0x92: {  	_ =	strace s18  }
0x93: {  	s3 =	sld [smem:$0x3FFC];
	_ =	sdelay $0x3  }
0x94: {  	_ =	strace s3  }
0x95: {  	s3 =	sld [smem:$0x3FFD];
	_ =	sdelay $0x3  }
0x96: {  	_ =	strace s3  }
0x97: {  	_ =	strace $0x8FFFFFFF  }
0x98: {  	s19 =	sld [smem:$0x3FDB];
	_ =	sdelay $0x1  }
0x99: {  	s4 =	simm.s32 $_scs_section_size  }
0x9a: {  	s5 =	simm.s32 $_size__tile_overlayer_lowered;
	s6 =	simm.s32 $_tile_overlayer_lowered  }
0x9b: {  	s22 =	simm.s32 $0x1BFF;
	s21 =	sshll.u32 s6, $0x1;
	s3 =	sadd.s32 s4, s19  }
0x9c: {  	s7 =	simm.s32 $0x0;
	s20 =	sshll.u32 s5, $0x1;
	s5 =	sadd.s32 s21, s3  }
0x9d: {  	[timem:s7], [sflag:s22] =	dma.local [hbm:s5], s20  }
0x9e: {  	_ =	swait.ge [sflag:s22], s20  }
0x9f: {  	s4 =	ssub.s32 $0x0, s20;
	[sflag:s22] =	ssyncset.done $0x0  }
0xa0: {  	[sflag:s22] =	ssyncadd.s32 s4;
	_ =	sdelay $0x1  }
0xa1: {  	s23 =	simm.s32 $0x1B8B  }
0xa2: {  	_ =	swait.ge [sflag:s23], $0x1  }
0xa3: {  	[sflag:s23] =	ssyncset.done $0x0  }
0xa4: {  	s25 =	simm.s32 $0x1B8E;
	s24 =	sld [smem:$0x3FFE];
	[sflag:s23] =	ssyncadd.s32 $0xFFFFFFFF  }
0xa5: {  	s26 =	simm.s32 $execute0_lowered;
	[smem:$0x3FD2] =	sst s25  }
0xa6: {  	s5 =	sshll.u32 s26, $0x1;
	_ =	strace $0x80000049;
	[dreg:$0x1] =	wrdreg $0xFFFFFFFF  }
0xa7: {  	s28 =	simm.s32 $_size_execute0_lowered;
	s3 =	sadd.s32 s3, s5;
	[dreg:$0x0] =	wrdreg $0x0  }
0xa8: {  	s5 =	sshll.u32 s28, $0x1;
	[dreg:$0x2] =	wrdreg s3  }
0xa9: {  	[dreg:$0x3] =	wrdreg s5  }
0xaa: {  	[dreg:$0x4] =	wrdreg $0xC0  }
0xab: {  	_ =	task [dreg:s7], $0x5FFFF  }
0xac: {  	[dreg:$0x1] =	wrdreg $0xFFFFFFFF  }
0xad: {  	[dreg:$0x0] =	wrdreg $0x60  }
0xae: {  	[dreg:$0x2] =	wrdreg s2  }
0xaf: {  	[dreg:$0x3] =	wrdreg s24  }
0xb0: {  	[dreg:$0x4] =	wrdreg $0xBC000  }
0xb1: {  	[dreg:$0x5] =	wrdreg $0x9  }
0xb2: {  	_ =	task.clear_ibuf [dreg:s7], $0x6FFFF;
	_ =	strace $0x90000049  }
0xb3: {  	s29 =	simm.s32 $0x9;
	_ =	strace $0x8000004B  }
0xb4: {  	_ =	swait.ge [sflag:s29], $0x1  }
0xb5: {  	[sflag:s29] =	ssyncadd.s32 $0xFFFFFFFF  }
0xb6: {  	_ =	strace $0x9000004B  }
0xb7: {  	_ =	sfence  }
0xb8: {  	s30 =	sld [smem:$0x0];
	_ =	sdelay $0x2  }
0xb9: {  	s31 =	sshll.u32 s1, $0xD;
	s1 =	sshrl.u32 s1, $0x2  }
0xba: {  	s3 =	sand.u32 $0x4000, s31;
	s1 =	sadd.s32 s1, s30  }
0xbb: {  	s0 =	sor.u32 s3, s0;
	s1 =	sshll.u32 s1, $0x11  }
0xbc: {  	s0 =	sor.u32 s1, s0  }
0xbd: {  	s0 =	sadd.s32 $0x8F2B, s0  }
0xbe: {  	[sflag:s0] =	ssyncadd.remote.s32 $0x1  }
0xbf: {  	_ =	sfence.sel $0xFFFF  }
0xc0: {  	[dreg:$0x0] =	wrdreg $0xFFFFFFFF;
	(pc) =	sbr.abs _section_cstart, $3  }
0xc1: {  	[dreg:$0x1] =	wrdreg $0xFFFFFFFF  }
0xc2: {  	_ =	task.clear_ibuf [dreg:s7], $0x2FFFF;
	_ =	strace $0x9FFFFFFF  }
0xc3: {  	(tm) =	ssettm $0x7FFFFFFF  }
tec
execute0_lowered:
.L_overlay_start_1:
0x0: {  	(tag) =	ssettag $0x1  }
0x1: {  	s4 =	rddreg [dreg:$0x0]  }
0x2: {  	s1 =	srdreg.scid;
	s6 =	rddreg [dreg:$0x1]  }
0x3: {  	s0 =	stileid.u32;
	s2 =	rddreg [dreg:$0x2]  }
0x4: {  	s3 =	simm.s32 $0x0;
	s17 =	simm.s32 $0x80;
	s18 =	simm.s32 $0x3C00  }
0x5: {  	s19 =	simm.s32 $0x7C00;
	s20 =	simm.s32 $0x1;
	s21 =	simm.s32 $0x2  }
0x6: {  	s22 =	simm.s32 $0x2780;
	s23 =	simm.s32 $0x3B00;
	s24 =	simm.s32 $0x3B80  }
0x7: {  	s5 =	sand.u32 $0x1, s1;
	s25 =	sshll.u32 s0, $0x1;
	s9 =	smul.u32 $0x14000, s0  }
0x8: {  	[smem:$0x7FF] =	sst s3;
	s11 =	smul.u32 $0x50000, s0;
	s31 =	sshll.u32 s0, $0x6  }
0x9: {  	s1 =	sor.u32 s5, s25;
	s8 =	smul.u32 $0x140000, s5;
	_ =	strace $0x8000004A  }
0xa: {  	s5 =	ssub.s32 $0x2, s5;
	s25 =	simm.s32 $0x0;
	s7 =	smul.u32 $0x2800, s1  }
0xb: {  	s28 =	sshrl.u32 s5, $0x1;
	s30 =	sshrl.u32 s11, $0x2;
	s26 =	sadd.s32 s9, s8  }
0xc: {  	s13 =	ssub.s32 s5, s28;
	s29 =	sshrl.u32 s8, $0x3;
	s14 =	sadd.s32 s30, s2  }
0xd: {  	s7 =	sshrl.u32 s7, $0x3;
	s4 =	sadd.s32 s4, s29;
	s15 =	sadd.s32 $0x7800, s14  }
0xe: {  	s16 =	sadd.s32 $0xF000, s14;
	s11 =	smax.u32 s13, $0x1;
	s13 =	simm.s32 $0x3  }
0xf: {  	s10 =	sadd.s32 s7, s6;
	s7 =	sshrl.u32 s26, $0x3;
	s5 =	sadd.s32 $0x27100, s4  }
0x10: {  	s12 =	sadd.s32 s7, s6;
	s6 =	sor.u32 $0x1C03, s31;
	s7 =	sadd.s32 $0xC400, s10  }
0x11: {  	s8 =	sadd.s32 $0x2400, s10;
	s9 =	sadd.s32 $0x2680, s10;
	s10 =	sadd.s32 $0x16400, s12  }
0x12: {  	s12 =	sshrl.u32 s14, $0x3;
	s14 =	sshrl.u32 s15, $0x3;
	s15 =	sshrl.u32 s16, $0x3  }
.LBB2_1:
0x13: {  	[spmem:s12], [sflag:s6] =	dma.local [hbm:s5], $0xF00  }
0x14: {  	_ =	swait.ge [sflag:s13], $0xF00  }
0x15: {  	[sflag:s13] =	ssyncset.done $0x0  }
0x16: {  	[sflag:s13] =	ssyncadd.s32 $0xFFFFF100  }
0x17: {  	[spmem:s14], [sflag:s6] =	dma.local [hbm:s5], $0xF00  }
0x18: {  	_ =	swait.ge [sflag:s13], $0xF00  }
0x19: {  	[sflag:s13] =	ssyncset.done $0x0  }
0x1a: {  	[sflag:s13] =	ssyncadd.s32 $0xFFFFF100  }
0x1b: {  	[spmem:s15], [sflag:s6] =	dma.local [hbm:s5], $0xA00  }
0x1c: {  	_ =	swait.ge [sflag:s13], $0xA00  }
0x1d: {  	[sflag:s13] =	ssyncset.done $0x0  }
0x1e: {  	[sflag:s13] =	ssyncadd.s32 $0xFFFFF600  }
0x1f: {  	[bflag:$0x0] =	sbarrier.arrive $0xFFFF  }
0x20: {  	[tilespmem:s3], [sflag:$0x3] =	stream.linear.gather [hbm4b:s7+s3], $0x2800, $0x38;
	[tilespmem:$0x1FC00] =	vst v63  }
0x21: {  	_ =	swait.ge [sflag:s13], $0x2800  }
0x22: {  	[sflag:s13] =	ssyncset.done $0x0  }
0x23: {  	s0 =	simm.s32 $0x2800;
	[sflag:s13] =	ssyncadd.s32 $0xFFFFD800  }
0x24: {  	[tilespmem:s0], [sflag:$0x3] =	stream.linear.gather [hbm4b:s8+s3], $0x1400, $0x38;
	[tilespmem:$0x1FC00] =	vst v63  }
0x25: {  	_ =	swait.ge [sflag:s13], $0x1400  }
0x26: {  	[sflag:s13] =	ssyncset.done $0x0  }
0x27: {  	p0 =	por $0x1, $0x1;
	[sflag:s13] =	ssyncadd.s32 $0xFFFFEC00  }
0x28: {  	[tilespmem:s18], [sflag:$0x1] =	stream.indirect.gather [hbm4b:s4+s17], $0x80, s3, s17, $0xb8;
	[tilespmem:$0x1FC00] =	vst v63  }
0x29: {  	s26 =	simm.s32 @!p0 $0x0;
	s28 =	simm.s32 @!p0 $0x2800;
	s29 =	simm.s32 @!p0 $0x3  }
0x2a: {  	[tilespmem:s28], [sflag:$0x3] =	stream.linear.gather @!p0 [hbm4b:s9+s26], $0x1400, $0x38;
	[tilespmem:$0x1FC00] =	vst v63  }
0x2b: {  	_ =	swait.ge @!p0 [sflag:s29], $0x1400  }
0x2c: {  	p1 =	por $0x0, $0x0;
	s26 =	simm.s32 $0xFFFFB000;
	[sflag:s29] =	ssyncset.done @!p0 $0x0  }
0x2d: {  	s28 =	simm.s32 $0x80;
	s26 =	simm.s32 @!p1 $0x0;
	[sflag:s29] =	ssyncadd.s32 @!p0 $0xFFFFEC00  }
0x2e: {  	[tilespmem:s19], [sflag:$0x2] =	stream.indirect.gather [hbm4b:s4+s17], $0x80, s28, s17, $0xb8;
	[tilespmem:$0x1FC00] =	vst v63  }
0x2f: {  	s26 =	sadd.s32 $0x0, s26;
	_ =	swait.ge [sflag:s20], $0x4000  }
0x30: {  	s26 =	sshra.s32 s26, $0x2;
	[sflag:s20] =	ssyncset.done $0x0  }
0x31: {  	s28 =	sadd.s32 $0x2800, s26;
	[sflag:s20] =	ssyncadd.s32 $0xFFFFC000  }
0x32: {  	[spmem:s2] =	stream.indirect.scatter.add.f32 [tilespmem:s18], [sflag:$0x3], $0x80, s28, s17, $0xb8;
	[tilespmem:$0x1FC00] =	vst v63  }
0x33: {  	_ =	swait.ge [sflag:s13], $0x4000  }
0x34: {  	[sflag:s13] =	ssyncset.done $0x0  }
0x35: {  	s28 =	simm.s32 $0x100;
	[sflag:s13] =	ssyncadd.s32 $0xFFFFC000  }
0x36: {  	[tilespmem:s18], [sflag:$0x1] =	stream.indirect.gather [hbm4b:s4+s17], $0x80, s28, s17, $0xb8;
	[tilespmem:$0x1FC00] =	vst v63  }
0x37: {  	_ =	swait.ge [sflag:s21], $0x4000  }
0x38: {  	[sflag:s21] =	ssyncset.done $0x0  }
0x39: {  	s29 =	simm.s32 $0x800;
	s26 =	sadd.s32 $0x2880, s26;
	[sflag:s21] =	ssyncadd.s32 $0xFFFFC000  }
0x3a: {  	[spmem:s2] =	stream.indirect.scatter.add.f32 [tilespmem:s19], [sflag:$0x3], $0x80, s26, s17, $0xb8;
	[tilespmem:$0x1FC00] =	vst v63  }
0x3b: {  	s28 =	simm.s32 $0x1;
	s26 =	simm.s32 $0x400;
	_ =	swait.ge [sflag:s13], $0x4000  }
.LBB2_2:
0x3c: {  	p1 =	sne.s32 s26, $0x5000  }
0x3d: {  	[sflag:s13] =	ssyncset.done $0x0;
	s30 =	smov.u32 s29;
	s29 =	sadd.s32 $0x400, s29  }
0x3e: {  	s31 =	simm.s32 @!p1 $0x0;
	s1 =	simm.s32 @!p1 $0x2800;
	s0 =	simm.s32 @!p1 $0x3  }
0x3f: {  	p0 =	sne.s32 s29, $0x9C00;
	[sflag:s13] =	ssyncadd.s32 $0xFFFFC000  }
0x40: {  	[tilespmem:s1], [sflag:$0x3] =	stream.linear.gather @!p1 [hbm4b:s9+s31], $0x1400, $0x38;
	[tilespmem:$0x1FC00] =	vst v63  }
0x41: {  	p2 =	sgt.u32 s28, $0x13;
	s1 =	sshra.s32 s26, $0x2;
	_ =	swait.ge @!p1 [sflag:s0], $0x1400  }
0x42: {  	s16 =	simm.s32 $0xFFFFB000;
	s31 =	sadd.s32 $0x80, s1;
	[sflag:s0] =	ssyncset.done @!p1 $0x0  }
0x43: {  	s16 =	simm.s32 @!p2 $0x0;
	[sflag:s0] =	ssyncadd.s32 @!p1 $0xFFFFEC00  }
0x44: {  	[tilespmem:s19], [sflag:$0x2] =	stream.indirect.gather [hbm4b:s4+s17], $0x80, s31, s17, $0xb8;
	[tilespmem:$0x1FC00] =	vst v63  }
0x45: {  	s0 =	sadd.s32 s26, s16;
	s26 =	smov.u32 s30;
	_ =	swait.ge [sflag:s20], $0x4000  }
0x46: {  	s0 =	sshra.s32 s0, $0x2;
	[sflag:s20] =	ssyncset.done $0x0  }
0x47: {  	s16 =	sadd.s32 $0x2800, s0;
	[sflag:s20] =	ssyncadd.s32 $0xFFFFC000  }
0x48: {  	[spmem:s2] =	stream.indirect.scatter.add.f32 [tilespmem:s18], [sflag:$0x3], $0x80, s16, s17, $0xb8;
	[tilespmem:$0x1FC00] =	vst v63  }
0x49: {  	_ =	swait.ge [sflag:s13], $0x4000  }
0x4a: {  	s1 =	sadd.s32 $0x100, s1;
	[sflag:s13] =	ssyncset.done $0x0  }
0x4b: {  	[sflag:s13] =	ssyncadd.s32 $0xFFFFC000  }
0x4c: {  	[tilespmem:s18], [sflag:$0x1] =	stream.indirect.gather [hbm4b:s4+s17], $0x80, s1, s17, $0xb8;
	[tilespmem:$0x1FC00] =	vst v63  }
.Ltmp0:
0x4d: {  	_ =	swait.ge [sflag:s21], $0x4000;
	(pc) =	sbr.rel @p0 .LBB2_2-.Ltmp0, $4  }
0x4e: {  	s0 =	sadd.s32 $0x2880, s0;
	[sflag:s21] =	ssyncset.done $0x0  }
0x4f: {  	[sflag:s21] =	ssyncadd.s32 $0xFFFFC000  }
0x50: {  	[spmem:s2] =	stream.indirect.scatter.add.f32 [tilespmem:s19], [sflag:$0x3], $0x80, s0, s17, $0xb8;
	[tilespmem:$0x1FC00] =	vst v63  }
0x51: {  	s28 =	sadd.s32 $0x1, s28;
	_ =	swait.ge [sflag:s13], $0x4000  }
0x52: {  	p0 =	sne.s32 s26, $0x5000  }
0x53: {  	[sflag:s13] =	ssyncset.done $0x0;
	s0 =	simm.s32 @!p0 $0x0  }
0x54: {  	s1 =	simm.s32 @!p0 $0x2800;
	s16 =	simm.s32 @!p0 $0x3;
	[sflag:s13] =	ssyncadd.s32 $0xFFFFC000  }
0x55: {  	[tilespmem:s1], [sflag:$0x3] =	stream.linear.gather @!p0 [hbm4b:s9+s0], $0x1400, $0x38;
	[tilespmem:$0x1FC00] =	vst v63  }
0x56: {  	s31 =	sshra.s32 s26, $0x2;
	_ =	swait.ge @!p0 [sflag:s16], $0x1400  }
0x57: {  	p1 =	sgt.u32 s28, $0x13;
	s1 =	simm.s32 $0xFFFFB000;
	[sflag:s16] =	ssyncset.done @!p0 $0x0  }
0x58: {  	s29 =	sadd.s32 $0x80, s31;
	s1 =	simm.s32 @!p1 $0x0;
	[sflag:s16] =	ssyncadd.s32 @!p0 $0xFFFFEC00  }
0x59: {  	[tilespmem:s19], [sflag:$0x2] =	stream.indirect.gather [hbm4b:s4+s17], $0x80, s29, s17, $0xb8;
	[tilespmem:$0x1FC00] =	vst v63  }
0x5a: {  	s1 =	sadd.s32 s26, s1;
	_ =	swait.ge [sflag:s20], $0x4000  }
0x5b: {  	s1 =	sshra.s32 s1, $0x2;
	[sflag:s20] =	ssyncset.done $0x0  }
0x5c: {  	s30 =	sadd.s32 $0x2800, s1;
	[sflag:s20] =	ssyncadd.s32 $0xFFFFC000  }
0x5d: {  	[spmem:s2] =	stream.indirect.scatter.add.f32 [tilespmem:s18], [sflag:$0x3], $0x80, s30, s17, $0xb8;
	[tilespmem:$0x1FC00] =	vst v63  }
0x5e: {  	_ =	swait.ge [sflag:s13], $0x4000  }
0x5f: {  	[sflag:s13] =	ssyncset.done $0x0  }
0x60: {  	s0 =	sadd.s32 $0x100, s31;
	[sflag:s13] =	ssyncadd.s32 $0xFFFFC000  }
0x61: {  	[tilespmem:s18], [sflag:$0x1] =	stream.indirect.gather [hbm4b:s4+s17], $0x80, s0, s17, $0xb8;
	[tilespmem:$0x1FC00] =	vst v63  }
0x62: {  	_ =	swait.ge [sflag:s21], $0x4000  }
0x63: {  	[sflag:s21] =	ssyncset.done $0x0  }
0x64: {  	s31 =	sadd.s32 $0x2880, s1;
	[sflag:s21] =	ssyncadd.s32 $0xFFFFC000  }
0x65: {  	[spmem:s2] =	stream.indirect.scatter.add.f32 [tilespmem:s19], [sflag:$0x3], $0x80, s31, s17, $0xb8;
	[tilespmem:$0x1FC00] =	vst v63  }
0x66: {  	_ =	swait.ge [sflag:s13], $0x4000  }
0x67: {  	[sflag:s13] =	ssyncset.done $0x0  }
0x68: {  	[sflag:s13] =	ssyncadd.s32 $0xFFFFC000  }
0x69: {  	[tilespmem:s19], [sflag:$0x2] =	stream.indirect.gather [hbm4b:s4+s17], $0x80, s22, s17, $0xb8;
	[tilespmem:$0x1FC00] =	vst v63  }
0x6a: {  	_ =	swait.ge [sflag:s20], $0x4000  }
0x6b: {  	[sflag:s20] =	ssyncset.done $0x0  }
0x6c: {  	[sflag:s20] =	ssyncadd.s32 $0xFFFFC000  }
0x6d: {  	[spmem:s2] =	stream.indirect.scatter.add.f32 [tilespmem:s18], [sflag:$0x3], $0x80, s23, s17, $0xb8;
	[tilespmem:$0x1FC00] =	vst v63  }
0x6e: {  	_ =	swait.ge [sflag:s13], $0x4000  }
0x6f: {  	[sflag:s13] =	ssyncset.done $0x0  }
0x70: {  	[sflag:s13] =	ssyncadd.s32 $0xFFFFC000  }
0x71: {  	_ =	swait.ge [sflag:s21], $0x4000  }
0x72: {  	[sflag:s21] =	ssyncset.done $0x0  }
0x73: {  	[sflag:s21] =	ssyncadd.s32 $0xFFFFC000  }
0x74: {  	[spmem:s2] =	stream.indirect.scatter.add.f32 [tilespmem:s19], [sflag:$0x3], $0x80, s24, s17, $0xb8;
	[tilespmem:$0x1FC00] =	vst v63  }
0x75: {  	_ =	swait.ge [sflag:s13], $0x4000  }
0x76: {  	s25 =	sadd.s32 $0x1, s25;
	[sflag:s13] =	ssyncset.done $0x0  }
0x77: {  	p0 =	sne.s32 s25, s11;
	[sflag:s13] =	ssyncadd.s32 $0xFFFFC000  }
.Ltmp1:
0x78: {  	[bflag:$0x0] =	sbarrier.arrive $0xFFFF;
	(pc) =	sbr.rel @p0 .LBB2_1-.Ltmp1, $4  }
0x79: {  	[hbm:s10], [sflag:s6] =	dma.local [spmem:s12], $0x2800  }
0x7a: {  	_ =	swait.ge [sflag:s13], $0x2800  }
0x7b: {  	[sflag:s13] =	ssyncset.done $0x0  }
0x7c: {  	[sflag:s13] =	ssyncadd.s32 $0xFFFFD800  }
0x7d: {  	_ =	sfence.sel $0x180000  }
0x7e: {  	[bflag:$0x0] =	sbarrier.arrive $0xFFFF  }
0x7f: {  	_ =	strace $0x9000004A  }
0x80: {  	s0 =	stileid.u32;
	[bflag:$0x2] =	sbarrier.arrive $0xFFFF  }
0x81: {  	p0 =	sne.s32 s0, $0x0;
	s0 =	rddreg [dreg:$0x3]  }
0x82: {  	s0 =	sadd.s32 @!p0 $0x100000, s0  }
0x83: {  	[sflag:s0] =	ssyncadd.tile.s32 @!p0 $0x1;
	_ =	shalt  }
.Lfunc_end2:
_tile_overlayer_lowered:
.L_overlay_start_2:
0x84: {  	(tag) =	ssettag $0x2  }
0x85: {  	s0 =	rddreg [dreg:$0x0];
	s2 =	stileid.u32  }
0x86: {  	s1 =	rddreg [dreg:$0x1];
	p0 =	sne.s32 s2, $0x0  }
0x87: {  	s3 =	rddreg [dreg:$0x2];
	[bflag:$0x3] =	sbarrier.arrive $0xFFFF;
	s2 =	simm.s32 @!p0 $0x1C03  }
0x88: {  	[timem:s3], [sflag:s2] =	dma.local @!p0 [hbm:s0], s1  }
0x89: {  	s0 =	simm.s32 @!p0 $0x3  }
0x8a: {  	_ =	swait.ge @!p0 [sflag:s0], s1  }
0x8b: {  	s1 =	ssub.s32 @!p0 $0x0, s1;
	[sflag:s0] =	ssyncset.done @!p0 $0x0  }
0x8c: {  	[sflag:s0] =	ssyncadd.s32 @!p0 s1  }
0x8d: {  	[bflag:$0x3] =	sbarrier.arrive $0xFFFF  }
0x8e: {  	_ =	shalt  }

// kernel: kernel.14.cloned.1.call-start
scs
__scs_entry_jumppad:
0x0: {  	(pc) =	sbr.rel $0x88, $3  }
0x1: {  	(tag) =	ssettag $0x0;
	lr =	simm.s32 $0x1  }
0x2: {  	[smem:$0x3F99] =	sst lr;
	_ =	strace $0xD0000000  }
0x3: {  	_ = 	snop  }
0x4: {  	_ = 	snop  }
0x5: {  	_ = 	snop  }
0x6: {  	_ = 	snop  }
0x7: {  	_ = 	snop  }
__scs_overlays_trampoline_lowered:
0x8: {  	[smem:$0x3FA8] =	sst s0  }
0x9: {  	[smem:$0x3FA9] =	sst s1  }
0xa: {  	[smem:$0x3FAA] =	sst s2  }
0xb: {  	[smem:$0x3FAB] =	sst s3  }
0xc: {  	[smem:$0x3FAC] =	sst s4  }
0xd: {  	[smem:$0x3FAD] =	sst s5  }
0xe: {  	[smem:$0x3FAE] =	sst s6  }
0xf: {  	[smem:$0x3FAF] =	sst s7  }
0x10: {  	[smem:$0x3FB0] =	sst s8  }
0x11: {  	[smem:$0x3FB1] =	sst s9;
	s0 =	simm.s32 @!p0 $0x0  }
0x12: {  	s1 =	sld [smem:$0x3F97];
	s0 =	simm.s32 @p0 $0x1  }
0x13: {  	[smem:$0x3FB2] =	sst s0;
	s0 =	simm.s32 @!p1 $0x0  }
0x14: {  	s2 =	sld [smem:$0x3F96];
	s0 =	simm.s32 @p1 $0x1  }
0x15: {  	[smem:$0x3FB3] =	sst s0;
	s0 =	simm.s32 @!p2 $0x0  }
0x16: {  	s3 =	sld [smem:$0x3FDB];
	s0 =	simm.s32 @p2 $0x1  }
0x17: {  	s4 =	simm.s32 $0x1BF5;
	[smem:$0x3FB5] =	sst s0  }
0x18: {  	s0 =	sld [smem:$0x3F98];
	_ =	swait.ge [sflag:s4], $0x0  }
0x19: {  	s7 =	sld [smem:$0x3F99]  }
0x1a: {  	s8 =	sadd.s32 $0xFFFFE003, lr  }
0x1b: {  	s9 =	sadd.s32 $0xFFFFFEF7, lr;
	s5 =	simm.s32 $0xFFFFFFFF;
	p2 =	slt.u32 s8, $0xFFFFF086  }
0x1c: {  	p1 =	slt.u32 s9, $0xF7A;
	s5 =	simm.s32 @!p2 $0x0  }
0x1d: {  	s5 =	simm.s32 @p1 $0x1;
	p0 =	seq.s32 s7, s2  }
0x1e: {  	s7 =	smul.u32 @!p0 $0xF7A, s2;
	p2 =	seq.s32 @!p0 s5, $0x0  }
0x1f: {  	s9 =	smul.u32 $0xF7A, s1;
	s8 =	simm.s32 @!p0 $0x1BF5;
	p2 =	por !p2, p0  }
0x20: {  	[sflag:s8] =	ssyncset.s32 @!p0 $0xFFFFF086;
	s6 =	sadd.s32 @!p0 s3, s7;
	s7 =	simm.s32 @!p0 $0x108  }
0x21: {  	s3 =	sadd.s32 s3, s9;
	s6 =	sadd.s32 @!p0 $0x88, s6;
	s7 =	simm.s32 @p2 $0x1082  }
0x22: {  	[simem:s7], [sflag:s8] =	dma.local @!p0 [hbm:s6], $0xF7A  }
0x23: {  	s9 =	sor.u32 $0xD0000000, s2;
	s6 =	simm.s32 $0x108;
	_ =	swait.ge @!p0 [sflag:s8], $0x0  }
0x24: {  	s3 =	sadd.s32 $0x88, s3;
	s6 =	simm.s32 @!p1 $0x1082;
	[sflag:s4] =	ssyncset.s32 $0xFFFFF086  }
0x25: {  	[simem:s6], [sflag:s4] =	dma.local [hbm:s3], $0xF7A  }
0x26: {  	[smem:$0x3F99] =	sst s1;
	(tag) =	ssettag s2;
	_ =	strace s9  }
0x27: {  	s1 =	sld [smem:$0x3FA9]  }
0x28: {  	s2 =	sld [smem:$0x3FAA]  }
0x29: {  	s4 =	sld [smem:$0x3FAC]  }
0x2a: {  	p0 =	seq.s32 s5, $0x0;
	s5 =	sld [smem:$0x3FAD]  }
0x2b: {  	s6 =	sld [smem:$0x3FAE]  }
0x2c: {  	s7 =	sld [smem:$0x3FAF]  }
0x2d: {  	s3 =	simm.s32 $0x108;
	s8 =	sld [smem:$0x3FB0]  }
0x2e: {  	s3 =	simm.s32 @!p0 $0x1082;
	s9 =	sld [smem:$0x3FB1]  }
0x2f: {  	lr =	sadd.s32 s0, s3;
	s0 =	sld [smem:$0x3FA8]  }
0x30: {  	s3 =	sld [smem:$0x3FAB]  }
0x31: {  	[smem:$0x3FB4] =	sst s10  }
0x32: {  	s10 =	sld [smem:$0x3FB2];
	_ =	sdelay $0x3  }
0x33: {  	p0 =	seq.s32 s10, $0x1;
	s10 =	sld [smem:$0x3FB4];
	_ =	sdelay $0x3  }
0x34: {  	[smem:$0x3FB4] =	sst s10  }
0x35: {  	s10 =	sld [smem:$0x3FB3];
	_ =	sdelay $0x3  }
0x36: {  	p1 =	seq.s32 s10, $0x1;
	s10 =	sld [smem:$0x3FB4];
	_ =	sdelay $0x3  }
0x37: {  	[smem:$0x3FB4] =	sst s10  }
0x38: {  	s10 =	sld [smem:$0x3FB5]  }
0x39: {  	_ = 	snop;
	(pc) =	sbr.ind lr, $3  }
0x3a: {  	_ = 	snop  }
0x3b: {  	_ = 	snop  }
0x3c: {  	p2 =	seq.s32 s10, $0x1;
	s10 =	sld [smem:$0x3FB4]  }
0x3d: {  	_ =	shalt  }
0x3e: {  	_ =	shalt  }
0x3f: {  	_ =	shalt  }
0x40: {  	_ =	shalt  }
0x41: {  	_ =	shalt  }
0x42: {  	_ =	shalt  }
0x43: {  	_ =	shalt  }
0x44: {  	_ =	shalt  }
0x45: {  	_ =	shalt  }
0x46: {  	_ =	shalt  }
0x47: {  	_ =	shalt  }
0x48: {  	_ =	shalt  }
0x49: {  	_ =	shalt  }
0x4a: {  	_ =	shalt  }
0x4b: {  	_ =	shalt  }
0x4c: {  	_ =	shalt  }
0x4d: {  	_ =	shalt  }
0x4e: {  	_ =	shalt  }
0x4f: {  	_ =	shalt  }
0x50: {  	_ =	shalt  }
0x51: {  	_ =	shalt  }
0x52: {  	_ =	shalt  }
0x53: {  	_ =	shalt  }
0x54: {  	_ =	shalt  }
0x55: {  	_ =	shalt  }
0x56: {  	_ =	shalt  }
0x57: {  	_ =	shalt  }
0x58: {  	_ =	shalt  }
0x59: {  	_ =	shalt  }
0x5a: {  	_ =	shalt  }
0x5b: {  	_ =	shalt  }
0x5c: {  	_ =	shalt  }
0x5d: {  	_ =	shalt  }
0x5e: {  	_ =	shalt  }
0x5f: {  	_ =	shalt  }
0x60: {  	_ =	shalt  }
0x61: {  	_ =	shalt  }
0x62: {  	_ =	shalt  }
0x63: {  	_ =	shalt  }
0x64: {  	_ =	shalt  }
0x65: {  	_ =	shalt  }
0x66: {  	_ =	shalt  }
0x67: {  	_ =	shalt  }
0x68: {  	_ =	shalt  }
0x69: {  	_ =	shalt  }
0x6a: {  	_ =	shalt  }
0x6b: {  	_ =	shalt  }
0x6c: {  	_ =	shalt  }
0x6d: {  	_ =	shalt  }
0x6e: {  	_ =	shalt  }
0x6f: {  	_ =	shalt  }
0x70: {  	_ =	shalt  }
0x71: {  	_ =	shalt  }
0x72: {  	_ =	shalt  }
0x73: {  	_ =	shalt  }
0x74: {  	_ =	shalt  }
0x75: {  	_ =	shalt  }
0x76: {  	_ =	shalt  }
0x77: {  	_ =	shalt  }
0x78: {  	_ =	shalt  }
0x79: {  	_ =	shalt  }
0x7a: {  	_ =	shalt  }
0x7b: {  	_ =	shalt  }
0x7c: {  	_ =	shalt  }
0x7d: {  	_ =	shalt  }
0x7e: {  	_ =	shalt  }
0x7f: {  	_ =	shalt  }
0x80: {  	_ =	shalt  }
0x81: {  	_ =	shalt  }
0x82: {  	_ =	shalt  }
0x83: {  	_ =	shalt  }
0x84: {  	_ =	shalt  }
0x85: {  	_ =	shalt  }
0x86: {  	_ =	shalt  }
0x87: {  	_ =	shalt  }
.Lfunc_end0:
.L_simem_size_0:
called_computation.2_lowered:
.L_overlay_start_0:
0x88: {  	s2 =	sld [smem:$0x3FD9]  }
0x89: {  	s3 =	sld [smem:$0x3FFE];
	_ =	sdelay $0x1  }
0x8a: {  	s1 =	srdreg.scid  }
0x8b: {  	s0 =	sand.u32 $0x1, s1  }
0x8c: {  	s17 =	sshll.u32 s0, $0xA;
	s2 =	sadd.s32 s3, s2  }
0x8d: {  	s2 =	sadd.s32 s2, s17  }
0x8e: {  	[smem:$0x3FC0] =	sst s2  }
0x8f: {  	_ = 	snop  }
0x90: {  	s2 =	sld [smem:$0x3FD0];
	(tm) =	ssettm $0x1  }
0x91: {  	s18 =	sld [smem:$0x3FFB];
	_ =	sdelay $0x3  }
0x92: {  	_ =	strace s18  }
0x93: {  	s3 =	sld [smem:$0x3FFC];
	_ =	sdelay $0x3  }
0x94: {  	_ =	strace s3  }
0x95: {  	s3 =	sld [smem:$0x3FFD];
	_ =	sdelay $0x3  }
0x96: {  	_ =	strace s3  }
0x97: {  	_ =	strace $0x8FFFFFFF  }
0x98: {  	s19 =	sld [smem:$0x3FDB];
	_ =	sdelay $0x1  }
0x99: {  	s4 =	simm.s32 $_scs_section_size  }
0x9a: {  	s5 =	simm.s32 $_size__tile_overlayer_lowered;
	s6 =	simm.s32 $_tile_overlayer_lowered  }
0x9b: {  	s22 =	simm.s32 $0x1BFF;
	s21 =	sshll.u32 s6, $0x1;
	s3 =	sadd.s32 s4, s19  }
0x9c: {  	s7 =	simm.s32 $0x0;
	s20 =	sshll.u32 s5, $0x1;
	s5 =	sadd.s32 s21, s3  }
0x9d: {  	[timem:s7], [sflag:s22] =	dma.local [hbm:s5], s20  }
0x9e: {  	_ =	swait.ge [sflag:s22], s20  }
0x9f: {  	s4 =	ssub.s32 $0x0, s20;
	[sflag:s22] =	ssyncset.done $0x0  }
0xa0: {  	[sflag:s22] =	ssyncadd.s32 s4;
	_ =	sdelay $0x1  }
0xa1: {  	s23 =	simm.s32 $0x1B8B  }
0xa2: {  	_ =	swait.ge [sflag:s23], $0x1  }
0xa3: {  	[sflag:s23] =	ssyncset.done $0x0  }
0xa4: {  	s25 =	simm.s32 $0x1B8E;
	s24 =	sld [smem:$0x3FFE];
	[sflag:s23] =	ssyncadd.s32 $0xFFFFFFFF  }
0xa5: {  	s26 =	simm.s32 $execute0_lowered;
	[smem:$0x3FD2] =	sst s25  }
0xa6: {  	s5 =	sshll.u32 s26, $0x1;
	_ =	strace $0x8000004C;
	[dreg:$0x1] =	wrdreg $0xFFFFFFFF  }
0xa7: {  	s28 =	simm.s32 $_size_execute0_lowered;
	s3 =	sadd.s32 s3, s5;
	[dreg:$0x0] =	wrdreg $0x0  }
0xa8: {  	s5 =	sshll.u32 s28, $0x1;
	[dreg:$0x2] =	wrdreg s3  }
0xa9: {  	[dreg:$0x3] =	wrdreg s5  }
0xaa: {  	[dreg:$0x4] =	wrdreg $0xC0  }
0xab: {  	_ =	task [dreg:s7], $0x5FFFF  }
0xac: {  	[dreg:$0x1] =	wrdreg $0xFFFFFFFF  }
0xad: {  	[dreg:$0x0] =	wrdreg $0x60  }
0xae: {  	[dreg:$0x2] =	wrdreg s2  }
0xaf: {  	[dreg:$0x3] =	wrdreg s24  }
0xb0: {  	[dreg:$0x4] =	wrdreg $0xBC000  }
0xb1: {  	[dreg:$0x5] =	wrdreg $0x9  }
0xb2: {  	_ =	task.clear_ibuf [dreg:s7], $0x6FFFF;
	_ =	strace $0x9000004C  }
0xb3: {  	s29 =	simm.s32 $0x9;
	_ =	strace $0x8000004E  }
0xb4: {  	_ =	swait.ge [sflag:s29], $0x1  }
0xb5: {  	[sflag:s29] =	ssyncadd.s32 $0xFFFFFFFF  }
0xb6: {  	_ =	strace $0x9000004E  }
0xb7: {  	_ =	sfence  }
0xb8: {  	s30 =	sld [smem:$0x0];
	_ =	sdelay $0x2  }
0xb9: {  	s31 =	sshll.u32 s1, $0xD;
	s1 =	sshrl.u32 s1, $0x2  }
0xba: {  	s3 =	sand.u32 $0x4000, s31;
	s1 =	sadd.s32 s1, s30  }
0xbb: {  	s0 =	sor.u32 s3, s0;
	s1 =	sshll.u32 s1, $0x11  }
0xbc: {  	s0 =	sor.u32 s1, s0  }
0xbd: {  	s0 =	sadd.s32 $0x8F2B, s0  }
0xbe: {  	[sflag:s0] =	ssyncadd.remote.s32 $0x1  }
0xbf: {  	_ =	sfence.sel $0xFFFF  }
0xc0: {  	[dreg:$0x0] =	wrdreg $0xFFFFFFFF;
	(pc) =	sbr.abs _section_cstart, $3  }
0xc1: {  	[dreg:$0x1] =	wrdreg $0xFFFFFFFF  }
0xc2: {  	_ =	task.clear_ibuf [dreg:s7], $0x2FFFF;
	_ =	strace $0x9FFFFFFF  }
0xc3: {  	(tm) =	ssettm $0x7FFFFFFF  }
tec
execute0_lowered:
.L_overlay_start_1:
0x0: {  	(tag) =	ssettag $0x1  }
0x1: {  	s4 =	rddreg [dreg:$0x0]  }
0x2: {  	s1 =	srdreg.scid;
	s6 =	rddreg [dreg:$0x1]  }
0x3: {  	s0 =	stileid.u32;
	s2 =	rddreg [dreg:$0x2]  }
0x4: {  	s3 =	simm.s32 $0x0;
	s17 =	simm.s32 $0x80;
	s18 =	simm.s32 $0x3C00  }
0x5: {  	s19 =	simm.s32 $0x7C00;
	s20 =	simm.s32 $0x1;
	s21 =	simm.s32 $0x2  }
0x6: {  	s22 =	simm.s32 $0x2780;
	s23 =	simm.s32 $0x3B00;
	s24 =	simm.s32 $0x3B80  }
0x7: {  	s5 =	sand.u32 $0x1, s1;
	s25 =	sshll.u32 s0, $0x1;
	s9 =	smul.u32 $0x14000, s0  }
0x8: {  	[smem:$0x7FF] =	sst s3;
	s11 =	smul.u32 $0x50000, s0;
	s31 =	sshll.u32 s0, $0x6  }
0x9: {  	s1 =	sor.u32 s5, s25;
	s8 =	smul.u32 $0x140000, s5;
	_ =	strace $0x8000004D  }
0xa: {  	s5 =	ssub.s32 $0x2, s5;
	s25 =	simm.s32 $0x0;
	s7 =	smul.u32 $0x2800, s1  }
0xb: {  	s28 =	sshrl.u32 s5, $0x1;
	s30 =	sshrl.u32 s11, $0x2;
	s26 =	sadd.s32 s9, s8  }
0xc: {  	s13 =	ssub.s32 s5, s28;
	s29 =	sshrl.u32 s8, $0x3;
	s14 =	sadd.s32 s30, s2  }
0xd: {  	s7 =	sshrl.u32 s7, $0x3;
	s4 =	sadd.s32 s4, s29;
	s15 =	sadd.s32 $0x7800, s14  }
0xe: {  	s16 =	sadd.s32 $0xF000, s14;
	s11 =	smax.u32 s13, $0x1;
	s13 =	simm.s32 $0x3  }
0xf: {  	s10 =	sadd.s32 s7, s6;
	s7 =	sshrl.u32 s26, $0x3;
	s5 =	sadd.s32 $0x27100, s4  }
0x10: {  	s12 =	sadd.s32 s7, s6;
	s6 =	sor.u32 $0x1C03, s31;
	s7 =	sadd.s32 $0xC400, s10  }
0x11: {  	s8 =	sadd.s32 $0x2400, s10;
	s9 =	sadd.s32 $0x2680, s10;
	s10 =	sadd.s32 $0x16400, s12  }
0x12: {  	s12 =	sshrl.u32 s14, $0x3;
	s14 =	sshrl.u32 s15, $0x3;
	s15 =	sshrl.u32 s16, $0x3  }
.LBB2_1:
0x13: {  	[spmem:s12], [sflag:s6] =	dma.local [hbm:s5], $0xF00  }
0x14: {  	_ =	swait.ge [sflag:s13], $0xF00  }
0x15: {  	[sflag:s13] =	ssyncset.done $0x0  }
0x16: {  	[sflag:s13] =	ssyncadd.s32 $0xFFFFF100  }
0x17: {  	[spmem:s14], [sflag:s6] =	dma.local [hbm:s5], $0xF00  }
0x18: {  	_ =	swait.ge [sflag:s13], $0xF00  }
0x19: {  	[sflag:s13] =	ssyncset.done $0x0  }
0x1a: {  	[sflag:s13] =	ssyncadd.s32 $0xFFFFF100  }
0x1b: {  	[spmem:s15], [sflag:s6] =	dma.local [hbm:s5], $0xA00  }
0x1c: {  	_ =	swait.ge [sflag:s13], $0xA00  }
0x1d: {  	[sflag:s13] =	ssyncset.done $0x0  }
0x1e: {  	[sflag:s13] =	ssyncadd.s32 $0xFFFFF600  }
0x1f: {  	[bflag:$0x0] =	sbarrier.arrive $0xFFFF  }
0x20: {  	[tilespmem:s3], [sflag:$0x3] =	stream.linear.gather [hbm4b:s7+s3], $0x2800, $0x38;
	[tilespmem:$0x1FC00] =	vst v63  }
0x21: {  	_ =	swait.ge [sflag:s13], $0x2800  }
0x22: {  	[sflag:s13] =	ssyncset.done $0x0  }
0x23: {  	s0 =	simm.s32 $0x2800;
	[sflag:s13] =	ssyncadd.s32 $0xFFFFD800  }
0x24: {  	[tilespmem:s0], [sflag:$0x3] =	stream.linear.gather [hbm4b:s8+s3], $0x1400, $0x38;
	[tilespmem:$0x1FC00] =	vst v63  }
0x25: {  	_ =	swait.ge [sflag:s13], $0x1400  }
0x26: {  	[sflag:s13] =	ssyncset.done $0x0  }
0x27: {  	p0 =	por $0x1, $0x1;
	[sflag:s13] =	ssyncadd.s32 $0xFFFFEC00  }
0x28: {  	[tilespmem:s18], [sflag:$0x1] =	stream.indirect.gather [hbm4b:s4+s17], $0x80, s3, s17, $0xb8;
	[tilespmem:$0x1FC00] =	vst v63  }
0x29: {  	s26 =	simm.s32 @!p0 $0x0;
	s28 =	simm.s32 @!p0 $0x2800;
	s29 =	simm.s32 @!p0 $0x3  }
0x2a: {  	[tilespmem:s28], [sflag:$0x3] =	stream.linear.gather @!p0 [hbm4b:s9+s26], $0x1400, $0x38;
	[tilespmem:$0x1FC00] =	vst v63  }
0x2b: {  	_ =	swait.ge @!p0 [sflag:s29], $0x1400  }
0x2c: {  	p1 =	por $0x0, $0x0;
	s26 =	simm.s32 $0xFFFFB000;
	[sflag:s29] =	ssyncset.done @!p0 $0x0  }
0x2d: {  	s28 =	simm.s32 $0x80;
	s26 =	simm.s32 @!p1 $0x0;
	[sflag:s29] =	ssyncadd.s32 @!p0 $0xFFFFEC00  }
0x2e: {  	[tilespmem:s19], [sflag:$0x2] =	stream.indirect.gather [hbm4b:s4+s17], $0x80, s28, s17, $0xb8;
	[tilespmem:$0x1FC00] =	vst v63  }
0x2f: {  	s26 =	sadd.s32 $0x0, s26;
	_ =	swait.ge [sflag:s20], $0x4000  }
0x30: {  	s26 =	sshra.s32 s26, $0x2;
	[sflag:s20] =	ssyncset.done $0x0  }
0x31: {  	s28 =	sadd.s32 $0x2800, s26;
	[sflag:s20] =	ssyncadd.s32 $0xFFFFC000  }
0x32: {  	[spmem:s2] =	stream.indirect.scatter.add.f32 [tilespmem:s18], [sflag:$0x3], $0x80, s28, s17, $0xb8;
	[tilespmem:$0x1FC00] =	vst v63  }
0x33: {  	_ =	swait.ge [sflag:s13], $0x4000  }
0x34: {  	[sflag:s13] =	ssyncset.done $0x0  }
0x35: {  	s28 =	simm.s32 $0x100;
	[sflag:s13] =	ssyncadd.s32 $0xFFFFC000  }
0x36: {  	[tilespmem:s18], [sflag:$0x1] =	stream.indirect.gather [hbm4b:s4+s17], $0x80, s28, s17, $0xb8;
	[tilespmem:$0x1FC00] =	vst v63  }
0x37: {  	_ =	swait.ge [sflag:s21], $0x4000  }
0x38: {  	[sflag:s21] =	ssyncset.done $0x0  }
0x39: {  	s29 =	simm.s32 $0x800;
	s26 =	sadd.s32 $0x2880, s26;
	[sflag:s21] =	ssyncadd.s32 $0xFFFFC000  }
0x3a: {  	[spmem:s2] =	stream.indirect.scatter.add.f32 [tilespmem:s19], [sflag:$0x3], $0x80, s26, s17, $0xb8;
	[tilespmem:$0x1FC00] =	vst v63  }
0x3b: {  	s28 =	simm.s32 $0x1;
	s26 =	simm.s32 $0x400;
	_ =	swait.ge [sflag:s13], $0x4000  }
.LBB2_2:
0x3c: {  	p1 =	sne.s32 s26, $0x5000  }
0x3d: {  	[sflag:s13] =	ssyncset.done $0x0;
	s30 =	smov.u32 s29;
	s29 =	sadd.s32 $0x400, s29  }
0x3e: {  	s31 =	simm.s32 @!p1 $0x0;
	s1 =	simm.s32 @!p1 $0x2800;
	s0 =	simm.s32 @!p1 $0x3  }
0x3f: {  	p0 =	sne.s32 s29, $0x9C00;
	[sflag:s13] =	ssyncadd.s32 $0xFFFFC000  }
0x40: {  	[tilespmem:s1], [sflag:$0x3] =	stream.linear.gather @!p1 [hbm4b:s9+s31], $0x1400, $0x38;
	[tilespmem:$0x1FC00] =	vst v63  }
0x41: {  	p2 =	sgt.u32 s28, $0x13;
	s1 =	sshra.s32 s26, $0x2;
	_ =	swait.ge @!p1 [sflag:s0], $0x1400  }
0x42: {  	s16 =	simm.s32 $0xFFFFB000;
	s31 =	sadd.s32 $0x80, s1;
	[sflag:s0] =	ssyncset.done @!p1 $0x0  }
0x43: {  	s16 =	simm.s32 @!p2 $0x0;
	[sflag:s0] =	ssyncadd.s32 @!p1 $0xFFFFEC00  }
0x44: {  	[tilespmem:s19], [sflag:$0x2] =	stream.indirect.gather [hbm4b:s4+s17], $0x80, s31, s17, $0xb8;
	[tilespmem:$0x1FC00] =	vst v63  }
0x45: {  	s0 =	sadd.s32 s26, s16;
	s26 =	smov.u32 s30;
	_ =	swait.ge [sflag:s20], $0x4000  }
0x46: {  	s0 =	sshra.s32 s0, $0x2;
	[sflag:s20] =	ssyncset.done $0x0  }
0x47: {  	s16 =	sadd.s32 $0x2800, s0;
	[sflag:s20] =	ssyncadd.s32 $0xFFFFC000  }
0x48: {  	[spmem:s2] =	stream.indirect.scatter.add.f32 [tilespmem:s18], [sflag:$0x3], $0x80, s16, s17, $0xb8;
	[tilespmem:$0x1FC00] =	vst v63  }
0x49: {  	_ =	swait.ge [sflag:s13], $0x4000  }
0x4a: {  	s1 =	sadd.s32 $0x100, s1;
	[sflag:s13] =	ssyncset.done $0x0  }
0x4b: {  	[sflag:s13] =	ssyncadd.s32 $0xFFFFC000  }
0x4c: {  	[tilespmem:s18], [sflag:$0x1] =	stream.indirect.gather [hbm4b:s4+s17], $0x80, s1, s17, $0xb8;
	[tilespmem:$0x1FC00] =	vst v63  }
.Ltmp0:
0x4d: {  	_ =	swait.ge [sflag:s21], $0x4000;
	(pc) =	sbr.rel @p0 .LBB2_2-.Ltmp0, $4  }
0x4e: {  	s0 =	sadd.s32 $0x2880, s0;
	[sflag:s21] =	ssyncset.done $0x0  }
0x4f: {  	[sflag:s21] =	ssyncadd.s32 $0xFFFFC000  }
0x50: {  	[spmem:s2] =	stream.indirect.scatter.add.f32 [tilespmem:s19], [sflag:$0x3], $0x80, s0, s17, $0xb8;
	[tilespmem:$0x1FC00] =	vst v63  }
0x51: {  	s28 =	sadd.s32 $0x1, s28;
	_ =	swait.ge [sflag:s13], $0x4000  }
0x52: {  	p0 =	sne.s32 s26, $0x5000  }
0x53: {  	[sflag:s13] =	ssyncset.done $0x0;
	s0 =	simm.s32 @!p0 $0x0  }
0x54: {  	s1 =	simm.s32 @!p0 $0x2800;
	s16 =	simm.s32 @!p0 $0x3;
	[sflag:s13] =	ssyncadd.s32 $0xFFFFC000  }
0x55: {  	[tilespmem:s1], [sflag:$0x3] =	stream.linear.gather @!p0 [hbm4b:s9+s0], $0x1400, $0x38;
	[tilespmem:$0x1FC00] =	vst v63  }
0x56: {  	s31 =	sshra.s32 s26, $0x2;
	_ =	swait.ge @!p0 [sflag:s16], $0x1400  }
0x57: {  	p1 =	sgt.u32 s28, $0x13;
	s1 =	simm.s32 $0xFFFFB000;
	[sflag:s16] =	ssyncset.done @!p0 $0x0  }
0x58: {  	s29 =	sadd.s32 $0x80, s31;
	s1 =	simm.s32 @!p1 $0x0;
	[sflag:s16] =	ssyncadd.s32 @!p0 $0xFFFFEC00  }
0x59: {  	[tilespmem:s19], [sflag:$0x2] =	stream.indirect.gather [hbm4b:s4+s17], $0x80, s29, s17, $0xb8;
	[tilespmem:$0x1FC00] =	vst v63  }
0x5a: {  	s1 =	sadd.s32 s26, s1;
	_ =	swait.ge [sflag:s20], $0x4000  }
0x5b: {  	s1 =	sshra.s32 s1, $0x2;
	[sflag:s20] =	ssyncset.done $0x0  }
0x5c: {  	s30 =	sadd.s32 $0x2800, s1;
	[sflag:s20] =	ssyncadd.s32 $0xFFFFC000  }
0x5d: {  	[spmem:s2] =	stream.indirect.scatter.add.f32 [tilespmem:s18], [sflag:$0x3], $0x80, s30, s17, $0xb8;
	[tilespmem:$0x1FC00] =	vst v63  }
0x5e: {  	_ =	swait.ge [sflag:s13], $0x4000  }
0x5f: {  	[sflag:s13] =	ssyncset.done $0x0  }
0x60: {  	s0 =	sadd.s32 $0x100, s31;
	[sflag:s13] =	ssyncadd.s32 $0xFFFFC000  }
0x61: {  	[tilespmem:s18], [sflag:$0x1] =	stream.indirect.gather [hbm4b:s4+s17], $0x80, s0, s17, $0xb8;
	[tilespmem:$0x1FC00] =	vst v63  }
0x62: {  	_ =	swait.ge [sflag:s21], $0x4000  }
0x63: {  	[sflag:s21] =	ssyncset.done $0x0  }
0x64: {  	s31 =	sadd.s32 $0x2880, s1;
	[sflag:s21] =	ssyncadd.s32 $0xFFFFC000  }
0x65: {  	[spmem:s2] =	stream.indirect.scatter.add.f32 [tilespmem:s19], [sflag:$0x3], $0x80, s31, s17, $0xb8;
	[tilespmem:$0x1FC00] =	vst v63  }
0x66: {  	_ =	swait.ge [sflag:s13], $0x4000  }
0x67: {  	[sflag:s13] =	ssyncset.done $0x0  }
0x68: {  	[sflag:s13] =	ssyncadd.s32 $0xFFFFC000  }
0x69: {  	[tilespmem:s19], [sflag:$0x2] =	stream.indirect.gather [hbm4b:s4+s17], $0x80, s22, s17, $0xb8;
	[tilespmem:$0x1FC00] =	vst v63  }
0x6a: {  	_ =	swait.ge [sflag:s20], $0x4000  }
0x6b: {  	[sflag:s20] =	ssyncset.done $0x0  }
0x6c: {  	[sflag:s20] =	ssyncadd.s32 $0xFFFFC000  }
0x6d: {  	[spmem:s2] =	stream.indirect.scatter.add.f32 [tilespmem:s18], [sflag:$0x3], $0x80, s23, s17, $0xb8;
	[tilespmem:$0x1FC00] =	vst v63  }
0x6e: {  	_ =	swait.ge [sflag:s13], $0x4000  }
0x6f: {  	[sflag:s13] =	ssyncset.done $0x0  }
0x70: {  	[sflag:s13] =	ssyncadd.s32 $0xFFFFC000  }
0x71: {  	_ =	swait.ge [sflag:s21], $0x4000  }
0x72: {  	[sflag:s21] =	ssyncset.done $0x0  }
0x73: {  	[sflag:s21] =	ssyncadd.s32 $0xFFFFC000  }
0x74: {  	[spmem:s2] =	stream.indirect.scatter.add.f32 [tilespmem:s19], [sflag:$0x3], $0x80, s24, s17, $0xb8;
	[tilespmem:$0x1FC00] =	vst v63  }
0x75: {  	_ =	swait.ge [sflag:s13], $0x4000  }
0x76: {  	s25 =	sadd.s32 $0x1, s25;
	[sflag:s13] =	ssyncset.done $0x0  }
0x77: {  	p0 =	sne.s32 s25, s11;
	[sflag:s13] =	ssyncadd.s32 $0xFFFFC000  }
.Ltmp1:
0x78: {  	[bflag:$0x0] =	sbarrier.arrive $0xFFFF;
	(pc) =	sbr.rel @p0 .LBB2_1-.Ltmp1, $4  }
0x79: {  	[hbm:s10], [sflag:s6] =	dma.local [spmem:s12], $0x2800  }
0x7a: {  	_ =	swait.ge [sflag:s13], $0x2800  }
0x7b: {  	[sflag:s13] =	ssyncset.done $0x0  }
0x7c: {  	[sflag:s13] =	ssyncadd.s32 $0xFFFFD800  }
0x7d: {  	_ =	sfence.sel $0x180000  }
0x7e: {  	[bflag:$0x0] =	sbarrier.arrive $0xFFFF  }
0x7f: {  	_ =	strace $0x9000004D  }
0x80: {  	s0 =	stileid.u32;
	[bflag:$0x2] =	sbarrier.arrive $0xFFFF  }
0x81: {  	p0 =	sne.s32 s0, $0x0;
	s0 =	rddreg [dreg:$0x3]  }
0x82: {  	s0 =	sadd.s32 @!p0 $0x100000, s0  }
0x83: {  	[sflag:s0] =	ssyncadd.tile.s32 @!p0 $0x1;
	_ =	shalt  }
.Lfunc_end2:
_tile_overlayer_lowered:
.L_overlay_start_2:
0x84: {  	(tag) =	ssettag $0x2  }
0x85: {  	s0 =	rddreg [dreg:$0x0];
	s2 =	stileid.u32  }
0x86: {  	s1 =	rddreg [dreg:$0x1];
	p0 =	sne.s32 s2, $0x0  }
0x87: {  	s3 =	rddreg [dreg:$0x2];
	[bflag:$0x3] =	sbarrier.arrive $0xFFFF;
	s2 =	simm.s32 @!p0 $0x1C03  }
0x88: {  	[timem:s3], [sflag:s2] =	dma.local @!p0 [hbm:s0], s1  }
0x89: {  	s0 =	simm.s32 @!p0 $0x3  }
0x8a: {  	_ =	swait.ge @!p0 [sflag:s0], s1  }
0x8b: {  	s1 =	ssub.s32 @!p0 $0x0, s1;
	[sflag:s0] =	ssyncset.done @!p0 $0x0  }
0x8c: {  	[sflag:s0] =	ssyncadd.s32 @!p0 s1  }
0x8d: {  	[bflag:$0x3] =	sbarrier.arrive $0xFFFF  }
0x8e: {  	_ =	shalt  }

// kernel: kernel.8.cloned.1.call-start
scs
__scs_entry_jumppad:
0x0: {  	(pc) =	sbr.rel $0x88, $3  }
0x1: {  	(tag) =	ssettag $0x0;
	lr =	simm.s32 $0x1  }
0x2: {  	[smem:$0x3F99] =	sst lr;
	_ =	strace $0xD0000000  }
0x3: {  	_ = 	snop  }
0x4: {  	_ = 	snop  }
0x5: {  	_ = 	snop  }
0x6: {  	_ = 	snop  }
0x7: {  	_ = 	snop  }
__scs_overlays_trampoline_lowered:
0x8: {  	[smem:$0x3FA8] =	sst s0  }
0x9: {  	[smem:$0x3FA9] =	sst s1  }
0xa: {  	[smem:$0x3FAA] =	sst s2  }
0xb: {  	[smem:$0x3FAB] =	sst s3  }
0xc: {  	[smem:$0x3FAC] =	sst s4  }
0xd: {  	[smem:$0x3FAD] =	sst s5  }
0xe: {  	[smem:$0x3FAE] =	sst s6  }
0xf: {  	[smem:$0x3FAF] =	sst s7  }
0x10: {  	[smem:$0x3FB0] =	sst s8  }
0x11: {  	[smem:$0x3FB1] =	sst s9;
	s0 =	simm.s32 @!p0 $0x0  }
0x12: {  	s1 =	sld [smem:$0x3F97];
	s0 =	simm.s32 @p0 $0x1  }
0x13: {  	[smem:$0x3FB2] =	sst s0;
	s0 =	simm.s32 @!p1 $0x0  }
0x14: {  	s2 =	sld [smem:$0x3F96];
	s0 =	simm.s32 @p1 $0x1  }
0x15: {  	[smem:$0x3FB3] =	sst s0;
	s0 =	simm.s32 @!p2 $0x0  }
0x16: {  	s3 =	sld [smem:$0x3FDB];
	s0 =	simm.s32 @p2 $0x1  }
0x17: {  	s4 =	simm.s32 $0x1BF5;
	[smem:$0x3FB5] =	sst s0  }
0x18: {  	s0 =	sld [smem:$0x3F98];
	_ =	swait.ge [sflag:s4], $0x0  }
0x19: {  	s7 =	sld [smem:$0x3F99]  }
0x1a: {  	s8 =	sadd.s32 $0xFFFFE003, lr  }
0x1b: {  	s9 =	sadd.s32 $0xFFFFFEF7, lr;
	s5 =	simm.s32 $0xFFFFFFFF;
	p2 =	slt.u32 s8, $0xFFFFF086  }
0x1c: {  	p1 =	slt.u32 s9, $0xF7A;
	s5 =	simm.s32 @!p2 $0x0  }
0x1d: {  	s5 =	simm.s32 @p1 $0x1;
	p0 =	seq.s32 s7, s2  }
0x1e: {  	s7 =	smul.u32 @!p0 $0xF7A, s2;
	p2 =	seq.s32 @!p0 s5, $0x0  }
0x1f: {  	s9 =	smul.u32 $0xF7A, s1;
	s8 =	simm.s32 @!p0 $0x1BF5;
	p2 =	por !p2, p0  }
0x20: {  	[sflag:s8] =	ssyncset.s32 @!p0 $0xFFFFF086;
	s6 =	sadd.s32 @!p0 s3, s7;
	s7 =	simm.s32 @!p0 $0x108  }
0x21: {  	s3 =	sadd.s32 s3, s9;
	s6 =	sadd.s32 @!p0 $0x88, s6;
	s7 =	simm.s32 @p2 $0x1082  }
0x22: {  	[simem:s7], [sflag:s8] =	dma.local @!p0 [hbm:s6], $0xF7A  }
0x23: {  	s9 =	sor.u32 $0xD0000000, s2;
	s6 =	simm.s32 $0x108;
	_ =	swait.ge @!p0 [sflag:s8], $0x0  }
0x24: {  	s3 =	sadd.s32 $0x88, s3;
	s6 =	simm.s32 @!p1 $0x1082;
	[sflag:s4] =	ssyncset.s32 $0xFFFFF086  }
0x25: {  	[simem:s6], [sflag:s4] =	dma.local [hbm:s3], $0xF7A  }
0x26: {  	[smem:$0x3F99] =	sst s1;
	(tag) =	ssettag s2;
	_ =	strace s9  }
0x27: {  	s1 =	sld [smem:$0x3FA9]  }
0x28: {  	s2 =	sld [smem:$0x3FAA]  }
0x29: {  	s4 =	sld [smem:$0x3FAC]  }
0x2a: {  	p0 =	seq.s32 s5, $0x0;
	s5 =	sld [smem:$0x3FAD]  }
0x2b: {  	s6 =	sld [smem:$0x3FAE]  }
0x2c: {  	s7 =	sld [smem:$0x3FAF]  }
0x2d: {  	s3 =	simm.s32 $0x108;
	s8 =	sld [smem:$0x3FB0]  }
0x2e: {  	s3 =	simm.s32 @!p0 $0x1082;
	s9 =	sld [smem:$0x3FB1]  }
0x2f: {  	lr =	sadd.s32 s0, s3;
	s0 =	sld [smem:$0x3FA8]  }
0x30: {  	s3 =	sld [smem:$0x3FAB]  }
0x31: {  	[smem:$0x3FB4] =	sst s10  }
0x32: {  	s10 =	sld [smem:$0x3FB2];
	_ =	sdelay $0x3  }
0x33: {  	p0 =	seq.s32 s10, $0x1;
	s10 =	sld [smem:$0x3FB4];
	_ =	sdelay $0x3  }
0x34: {  	[smem:$0x3FB4] =	sst s10  }
0x35: {  	s10 =	sld [smem:$0x3FB3];
	_ =	sdelay $0x3  }
0x36: {  	p1 =	seq.s32 s10, $0x1;
	s10 =	sld [smem:$0x3FB4];
	_ =	sdelay $0x3  }
0x37: {  	[smem:$0x3FB4] =	sst s10  }
0x38: {  	s10 =	sld [smem:$0x3FB5]  }
0x39: {  	_ = 	snop;
	(pc) =	sbr.ind lr, $3  }
0x3a: {  	_ = 	snop  }
0x3b: {  	_ = 	snop  }
0x3c: {  	p2 =	seq.s32 s10, $0x1;
	s10 =	sld [smem:$0x3FB4]  }
0x3d: {  	_ =	shalt  }
0x3e: {  	_ =	shalt  }
0x3f: {  	_ =	shalt  }
0x40: {  	_ =	shalt  }
0x41: {  	_ =	shalt  }
0x42: {  	_ =	shalt  }
0x43: {  	_ =	shalt  }
0x44: {  	_ =	shalt  }
0x45: {  	_ =	shalt  }
0x46: {  	_ =	shalt  }
0x47: {  	_ =	shalt  }
0x48: {  	_ =	shalt  }
0x49: {  	_ =	shalt  }
0x4a: {  	_ =	shalt  }
0x4b: {  	_ =	shalt  }
0x4c: {  	_ =	shalt  }
0x4d: {  	_ =	shalt  }
0x4e: {  	_ =	shalt  }
0x4f: {  	_ =	shalt  }
0x50: {  	_ =	shalt  }
0x51: {  	_ =	shalt  }
0x52: {  	_ =	shalt  }
0x53: {  	_ =	shalt  }
0x54: {  	_ =	shalt  }
0x55: {  	_ =	shalt  }
0x56: {  	_ =	shalt  }
0x57: {  	_ =	shalt  }
0x58: {  	_ =	shalt  }
0x59: {  	_ =	shalt  }
0x5a: {  	_ =	shalt  }
0x5b: {  	_ =	shalt  }
0x5c: {  	_ =	shalt  }
0x5d: {  	_ =	shalt  }
0x5e: {  	_ =	shalt  }
0x5f: {  	_ =	shalt  }
0x60: {  	_ =	shalt  }
0x61: {  	_ =	shalt  }
0x62: {  	_ =	shalt  }
0x63: {  	_ =	shalt  }
0x64: {  	_ =	shalt  }
0x65: {  	_ =	shalt  }
0x66: {  	_ =	shalt  }
0x67: {  	_ =	shalt  }
0x68: {  	_ =	shalt  }
0x69: {  	_ =	shalt  }
0x6a: {  	_ =	shalt  }
0x6b: {  	_ =	shalt  }
0x6c: {  	_ =	shalt  }
0x6d: {  	_ =	shalt  }
0x6e: {  	_ =	shalt  }
0x6f: {  	_ =	shalt  }
0x70: {  	_ =	shalt  }
0x71: {  	_ =	shalt  }
0x72: {  	_ =	shalt  }
0x73: {  	_ =	shalt  }
0x74: {  	_ =	shalt  }
0x75: {  	_ =	shalt  }
0x76: {  	_ =	shalt  }
0x77: {  	_ =	shalt  }
0x78: {  	_ =	shalt  }
0x79: {  	_ =	shalt  }
0x7a: {  	_ =	shalt  }
0x7b: {  	_ =	shalt  }
0x7c: {  	_ =	shalt  }
0x7d: {  	_ =	shalt  }
0x7e: {  	_ =	shalt  }
0x7f: {  	_ =	shalt  }
0x80: {  	_ =	shalt  }
0x81: {  	_ =	shalt  }
0x82: {  	_ =	shalt  }
0x83: {  	_ =	shalt  }
0x84: {  	_ =	shalt  }
0x85: {  	_ =	shalt  }
0x86: {  	_ =	shalt  }
0x87: {  	_ =	shalt  }
.Lfunc_end0:
.L_simem_size_0:
called_computation_lowered:
.L_overlay_start_0:
0x88: {  	s2 =	sld [smem:$0x3FD9]  }
0x89: {  	s3 =	sld [smem:$0x3FFE];
	_ =	sdelay $0x1  }
0x8a: {  	s1 =	srdreg.scid  }
0x8b: {  	s0 =	sand.u32 $0x1, s1  }
0x8c: {  	s17 =	sshll.u32 s0, $0xA;
	s2 =	sadd.s32 s3, s2  }
0x8d: {  	s2 =	sadd.s32 s2, s17  }
0x8e: {  	[smem:$0x3FC0] =	sst s2  }
0x8f: {  	_ = 	snop  }
0x90: {  	s2 =	sld [smem:$0x3FD0];
	(tm) =	ssettm $0x1  }
0x91: {  	s18 =	sld [smem:$0x3FFB];
	_ =	sdelay $0x3  }
0x92: {  	_ =	strace s18  }
0x93: {  	s3 =	sld [smem:$0x3FFC];
	_ =	sdelay $0x3  }
0x94: {  	_ =	strace s3  }
0x95: {  	s3 =	sld [smem:$0x3FFD];
	_ =	sdelay $0x3  }
0x96: {  	_ =	strace s3  }
0x97: {  	_ =	strace $0x8FFFFFFF  }
0x98: {  	s19 =	sld [smem:$0x3FDB];
	_ =	sdelay $0x1  }
0x99: {  	s4 =	simm.s32 $_scs_section_size  }
0x9a: {  	s5 =	simm.s32 $_size__tile_overlayer_lowered;
	s6 =	simm.s32 $_tile_overlayer_lowered  }
0x9b: {  	s22 =	simm.s32 $0x1BFF;
	s21 =	sshll.u32 s6, $0x1;
	s3 =	sadd.s32 s4, s19  }
0x9c: {  	s7 =	simm.s32 $0x0;
	s20 =	sshll.u32 s5, $0x1;
	s5 =	sadd.s32 s21, s3  }
0x9d: {  	[timem:s7], [sflag:s22] =	dma.local [hbm:s5], s20  }
0x9e: {  	_ =	swait.ge [sflag:s22], s20  }
0x9f: {  	s4 =	ssub.s32 $0x0, s20;
	[sflag:s22] =	ssyncset.done $0x0  }
0xa0: {  	[sflag:s22] =	ssyncadd.s32 s4;
	_ =	sdelay $0x1  }
0xa1: {  	s23 =	simm.s32 $0x1B8B  }
0xa2: {  	_ =	swait.ge [sflag:s23], $0x1  }
0xa3: {  	[sflag:s23] =	ssyncset.done $0x0  }
0xa4: {  	s25 =	simm.s32 $0x1B8E;
	s24 =	sld [smem:$0x3FFE];
	[sflag:s23] =	ssyncadd.s32 $0xFFFFFFFF  }
0xa5: {  	s26 =	simm.s32 $execute0_lowered;
	[smem:$0x3FD2] =	sst s25  }
0xa6: {  	s5 =	sshll.u32 s26, $0x1;
	_ =	strace $0x80000046;
	[dreg:$0x1] =	wrdreg $0xFFFFFFFF  }
0xa7: {  	s28 =	simm.s32 $_size_execute0_lowered;
	s3 =	sadd.s32 s3, s5;
	[dreg:$0x0] =	wrdreg $0x0  }
0xa8: {  	s5 =	sshll.u32 s28, $0x1;
	[dreg:$0x2] =	wrdreg s3  }
0xa9: {  	[dreg:$0x3] =	wrdreg s5  }
0xaa: {  	[dreg:$0x4] =	wrdreg $0xC0  }
0xab: {  	_ =	task [dreg:s7], $0x5FFFF  }
0xac: {  	[dreg:$0x1] =	wrdreg $0xFFFFFFFF  }
0xad: {  	[dreg:$0x0] =	wrdreg $0x60  }
0xae: {  	[dreg:$0x2] =	wrdreg s24  }
0xaf: {  	[dreg:$0x3] =	wrdreg s2  }
0xb0: {  	[dreg:$0x4] =	wrdreg $0x9  }
0xb1: {  	_ =	task.clear_ibuf [dreg:s7], $0x5FFFF;
	_ =	strace $0x90000046  }
0xb2: {  	s29 =	simm.s32 $0x9;
	_ =	strace $0x80000048  }
0xb3: {  	_ =	swait.ge [sflag:s29], $0x1  }
0xb4: {  	[sflag:s29] =	ssyncadd.s32 $0xFFFFFFFF  }
0xb5: {  	_ =	strace $0x90000048  }
0xb6: {  	_ =	sfence  }
0xb7: {  	s30 =	sld [smem:$0x0];
	_ =	sdelay $0x2  }
0xb8: {  	s31 =	sshll.u32 s1, $0xD;
	s1 =	sshrl.u32 s1, $0x2  }
0xb9: {  	s3 =	sand.u32 $0x4000, s31;
	s1 =	sadd.s32 s1, s30  }
0xba: {  	s0 =	sor.u32 s3, s0;
	s1 =	sshll.u32 s1, $0x11  }
0xbb: {  	s0 =	sor.u32 s1, s0  }
0xbc: {  	s0 =	sadd.s32 $0x8F2B, s0  }
0xbd: {  	[sflag:s0] =	ssyncadd.remote.s32 $0x1  }
0xbe: {  	_ =	sfence.sel $0xFFFF  }
0xbf: {  	[dreg:$0x0] =	wrdreg $0xFFFFFFFF;
	(pc) =	sbr.abs _section_cstart, $3  }
0xc0: {  	[dreg:$0x1] =	wrdreg $0xFFFFFFFF  }
0xc1: {  	_ =	task.clear_ibuf [dreg:s7], $0x2FFFF;
	_ =	strace $0x9FFFFFFF  }
0xc2: {  	(tm) =	ssettm $0x7FFFFFFF  }
0xc3: {  	_ =	shalt  }
tec
execute0_lowered:
.L_overlay_start_1:
0x0: {  	(tag) =	ssettag $0x1  }
0x1: {  	s1 =	srdreg.scid;
	s3 =	rddreg [dreg:$0x0]  }
0x2: {  	s0 =	stileid.u32;
	s5 =	rddreg [dreg:$0x1]  }
0x3: {  	s2 =	simm.s32 $0x0;
	s9 =	simm.s32 $0x2800;
	s10 =	simm.s32 $0x5000  }
0x4: {  	s11 =	simm.s32 $0x7800;
	s4 =	sand.u32 $0x1, s1;
	s30 =	sshll.u32 s0, $0x1  }
0x5: {  	s12 =	simm.s32 $0x80;
	s13 =	simm.s32 $0x100;
	s6 =	sor.u32 s4, s30  }
0x6: {  	s1 =	rddreg [dreg:$0x2];
	s4 =	ssub.s32 $0x2, s4;
	s7 =	smul.u32 $0x500, s6  }
0x7: {  	[smem:$0x7FF] =	sst s2;
	s6 =	smul.u32 $0xA00, s6;
	s31 =	sshrl.u32 s4, $0x1  }
0x8: {  	_ =	strace $0x80000047;
	s8 =	ssub.s32 s4, s31;
	s7 =	sadd.s32 s7, s3  }
0x9: {  	s4 =	sadd.s32 s5, s6;
	s3 =	sadd.s32 $0xC400, s7;
	s5 =	sadd.s32 $0x2400, s7  }
0xa: {  	v0 =	vimm.f32 $0.0e+00;
	v1 =	vimm.f32 $1.000000000e+00;
	s6 =	sadd.s32 $0x10, s4;
	s7 =	smax.u32 s8, $0x1;
	s8 =	simm.s32 $0x1  }
.LBB2_1:
0xb: {  	s14 =	simm.s32 $0x40;
	s15 =	simm.s32 $0x0  }
.LBB2_2:
0xc: {  	p0 =	sne.s32 s14, $0x9FC0;
	[tilespmem:s15+$0x5000] =	vst v0;
	s16 =	smov.u32 s14;
	s14 =	sadd.s32 $0x40, s14  }
.Ltmp0:
0xd: {  	[tilespmem:s15+$0x7800] =	vst v0;
	(pc) =	sbr.rel @p0 .LBB2_2-.Ltmp0, $2  }
0xe: {  	_ =	sdelay $0x2  }
0xf: {  	s15 =	sshra.s32 s16, $0x2  }
0x10: {  	[tilespmem:s15+$0x5000] =	vst v0  }
0x11: {  	[tilespmem:s15+$0x7800] =	vst v0;
	s14 =	simm.s32 $0x0  }
0x12: {  	[tilespmem:s14], [sflag:$0x1] =	stream.linear.gather [hbm4b:s3+s14], $0x2800, $0x38;
	[tilespmem:$0xA000] =	vst v63  }
0x13: {  	_ =	swait.ge [sflag:s8], $0x2800  }
0x14: {  	[sflag:s8] =	ssyncset.done $0x0  }
0x15: {  	[sflag:s8] =	ssyncadd.s32 $0xFFFFD800  }
0x16: {  	[tilespmem:s9], [sflag:$0x1] =	stream.linear.gather [hbm4b:s5+s14], $0x2800, $0x38;
	[tilespmem:$0xA000] =	vst v63  }
0x17: {  	_ =	swait.ge [sflag:s8], $0x2800  }
0x18: {  	[sflag:s8] =	ssyncset.done $0x0  }
0x19: {  	[sflag:s8] =	ssyncadd.s32 $0xFFFFD800  }
.LBB2_4:
0x1a: {  	s15 =	sshra.s32 s14, $0x2  }
0x1b: {  	v2 =	vld [tilespmem:s15+$0x0];
	_ =	sdelay $0x7  }
0x1c: {  	[tilespmem:v2+s10+$0x0] =	vst.idx.add.f32.msk $0xffff, v1  }
0x1d: {  	v2 =	vld [tilespmem:s15+$0x2800];
	_ =	sdelay $0x7  }
0x1e: {  	[tilespmem:v2+s11+$0x0] =	vst.idx.add.f32.msk $0xffff, v1  }
0x1f: {  	v2 =	vld [tilespmem:s15+$0x10];
	_ =	sdelay $0x7  }
0x20: {  	[tilespmem:v2+s10+$0x0] =	vst.idx.add.f32.msk $0xffff, v1  }
0x21: {  	v2 =	vld [tilespmem:s15+$0x2810];
	_ =	sdelay $0x7  }
0x22: {  	[tilespmem:v2+s11+$0x0] =	vst.idx.add.f32.msk $0xffff, v1  }
0x23: {  	v2 =	vld [tilespmem:s15+$0x20];
	_ =	sdelay $0x7  }
0x24: {  	[tilespmem:v2+s10+$0x0] =	vst.idx.add.f32.msk $0xffff, v1  }
0x25: {  	v2 =	vld [tilespmem:s15+$0x2820];
	_ =	sdelay $0x7  }
0x26: {  	[tilespmem:v2+s11+$0x0] =	vst.idx.add.f32.msk $0xffff, v1  }
0x27: {  	v2 =	vld [tilespmem:s15+$0x30];
	_ =	sdelay $0x7  }
0x28: {  	[tilespmem:v2+s10+$0x0] =	vst.idx.add.f32.msk $0xffff, v1  }
0x29: {  	v2 =	vld [tilespmem:s15+$0x2830];
	_ =	sdelay $0x7  }
0x2a: {  	[tilespmem:v2+s11+$0x0] =	vst.idx.add.f32.msk $0xffff, v1  }
0x2b: {  	v2 =	vld [tilespmem:s15+$0x40];
	_ =	sdelay $0x7  }
0x2c: {  	[tilespmem:v2+s10+$0x0] =	vst.idx.add.f32.msk $0xffff, v1  }
0x2d: {  	v2 =	vld [tilespmem:s15+$0x2840];
	_ =	sdelay $0x7  }
0x2e: {  	[tilespmem:v2+s11+$0x0] =	vst.idx.add.f32.msk $0xffff, v1  }
0x2f: {  	v2 =	vld [tilespmem:s15+$0x50];
	_ =	sdelay $0x7  }
0x30: {  	[tilespmem:v2+s10+$0x0] =	vst.idx.add.f32.msk $0xffff, v1  }
0x31: {  	v2 =	vld [tilespmem:s15+$0x2850];
	_ =	sdelay $0x7  }
0x32: {  	[tilespmem:v2+s11+$0x0] =	vst.idx.add.f32.msk $0xffff, v1  }
0x33: {  	v2 =	vld [tilespmem:s15+$0x60];
	_ =	sdelay $0x7  }
0x34: {  	[tilespmem:v2+s10+$0x0] =	vst.idx.add.f32.msk $0xffff, v1  }
0x35: {  	v2 =	vld [tilespmem:s15+$0x2860];
	_ =	sdelay $0x7  }
0x36: {  	[tilespmem:v2+s11+$0x0] =	vst.idx.add.f32.msk $0xffff, v1  }
0x37: {  	v2 =	vld [tilespmem:s15+$0x70];
	_ =	sdelay $0x7  }
0x38: {  	[tilespmem:v2+s10+$0x0] =	vst.idx.add.f32.msk $0xffff, v1  }
0x39: {  	v2 =	vld [tilespmem:s15+$0x2870];
	_ =	sdelay $0x2  }
0x3a: {  	p0 =	sne.s32 s14, $0x9E00  }
.Ltmp1:
0x3b: {  	_ = 	snop;
	(pc) =	sbr.rel @p0 .LBB2_4-.Ltmp1, $2  }
0x3c: {  	_ =	sdelay $0x2  }
0x3d: {  	s14 =	sadd.s32 $0x200, s14;
	[tilespmem:v2+s11+$0x0] =	vst.idx.add.f32.msk $0xffff, v1  }
0x3e: {  	[hbm4b:s4+s12] =	stream.strided.scatter [tilespmem:s10], [sflag:$0x1], $0x2800, s13, s12, $0x38;
	[tilespmem:$0xA000] =	vst v63  }
0x3f: {  	s2 =	sadd.s32 $0x1, s2;
	_ =	swait.ge [sflag:s8], $0x2800  }
0x40: {  	p0 =	sne.s32 s2, s7;
	[sflag:s8] =	ssyncset.done $0x0  }
.Ltmp2:
0x41: {  	[sflag:s8] =	ssyncadd.s32 $0xFFFFD800;
	(pc) =	sbr.rel @p0 .LBB2_1-.Ltmp2, $4  }
0x42: {  	[hbm4b:s6+s12] =	stream.strided.scatter [tilespmem:s11], [sflag:$0x1], $0x2800, s13, s12, $0x38;
	[tilespmem:$0xA000] =	vst v63  }
0x43: {  	_ =	swait.ge [sflag:s8], $0x2800  }
0x44: {  	[sflag:s8] =	ssyncset.done $0x0  }
0x45: {  	[sflag:s8] =	ssyncadd.s32 $0xFFFFD800  }
0x46: {  	_ =	sfence.sel $0x180000  }
0x47: {  	[bflag:$0x0] =	sbarrier.arrive $0xFFFF  }
0x48: {  	p0 =	sne.s32 s0, $0x0;
	_ =	strace $0x90000047  }
0x49: {  	s0 =	sadd.s32 @!p0 $0x100000, s1;
	[bflag:$0x2] =	sbarrier.arrive $0xFFFF  }
0x4a: {  	[sflag:s0] =	ssyncadd.tile.s32 @!p0 $0x1;
	_ =	shalt  }
.Lfunc_end2:
_tile_overlayer_lowered:
.L_overlay_start_2:
0x4b: {  	(tag) =	ssettag $0x2  }
0x4c: {  	s0 =	rddreg [dreg:$0x0];
	s2 =	stileid.u32  }
0x4d: {  	s1 =	rddreg [dreg:$0x1];
	p0 =	sne.s32 s2, $0x0  }
0x4e: {  	s3 =	rddreg [dreg:$0x2];
	[bflag:$0x3] =	sbarrier.arrive $0xFFFF;
	s2 =	simm.s32 @!p0 $0x1C01  }
0x4f: {  	[timem:s3], [sflag:s2] =	dma.local @!p0 [hbm:s0], s1  }
0x50: {  	s0 =	simm.s32 @!p0 $0x1  }
0x51: {  	_ =	swait.ge @!p0 [sflag:s0], s1  }
0x52: {  	s1 =	ssub.s32 @!p0 $0x0, s1;
	[sflag:s0] =	ssyncset.done @!p0 $0x0  }
0x53: {  	[sflag:s0] =	ssyncadd.s32 @!p0 s1  }
0x54: {  	[bflag:$0x3] =	sbarrier.arrive $0xFFFF  }
0x55: {  	_ =	shalt  }

</sc_bundles>
